<compile_context>
chip_gen: v7x
topology: tpu7x:2x2x1
jax: 0.10.2.dev20260603
libtpu: 0.0.44.dev20260713+nightly
codegen_flags: <defaults>
</compile_context>

<pallas_src>
import functools

import jax
import jax.numpy as jnp
from jax import lax
from jax.experimental import pallas as pl
from jax.experimental.pallas import tpu as pltpu
from jax.experimental.pallas import tpu_sc as plsc

BATCH = 16384
EMB_K = 64
PACKED = 2 * EMB_K
CHUNK = 128
PACK_BLK = 16384
HALF_M = 524288


def _pack_body(wt_lo_ref, wt_hi_ref, ht_lo_ref, ht_hi_ref, eye_ref, p_ref):
  dims = (((0,), (0,)), ((), ()))
  eye = eye_ref[...]

  def pack(wt_ref, ht_ref):
    w = jax.lax.dot_general(wt_ref[...], eye, dims,
                            preferred_element_type=jnp.float32)
    h = jax.lax.dot_general(ht_ref[...], eye, dims,
                            preferred_element_type=jnp.float32)
    half = jnp.int32(0x8000)
    wi = lax.bitcast_convert_type(w, jnp.int32) + half
    hi_ = lax.bitcast_convert_type(h, jnp.int32) + half
    wtop = jnp.bitwise_and(wi, jnp.int32(-65536))
    hbot = lax.shift_right_logical(hi_, 16)
    return jnp.bitwise_or(wtop, hbot)

  p_ref[...] = jnp.concatenate(
      [pack(wt_lo_ref, ht_lo_ref), pack(wt_hi_ref, ht_hi_ref)], axis=1)


def _pack_call(WT, HT):
  eye = jnp.eye(EMB_K, dtype=jnp.float32)
  nblk = HALF_M // PACK_BLK
  last = pl.cdiv(WT.shape[1], PACK_BLK) - 1
  lo = pl.BlockSpec((EMB_K, PACK_BLK), lambda i: (0, i))
  hi = pl.BlockSpec((EMB_K, PACK_BLK),
                    lambda i: (0, jnp.minimum(i + nblk, last)))
  return pl.pallas_call(
      _pack_body,
      grid=(nblk,),
      in_specs=[lo, hi, lo, hi, pl.BlockSpec((EMB_K, EMB_K), lambda i: (0, 0))],
      out_specs=pl.BlockSpec((PACK_BLK, PACKED), lambda i: (i, 0)),
      out_shape=jax.ShapeDtypeStruct((HALF_M, PACKED), jnp.int32),
      compiler_params=pltpu.CompilerParams(vmem_limit_bytes=112 * 1024 * 1024),
  )(WT, WT, HT, HT, eye)


def _gather_call(uidx3d, vidx3d, P2):
  info = plsc.get_sparse_core_info()
  nc, ns = info.num_cores, info.num_subcores
  nw = nc * ns
  rows_per_w = BATCH // nw
  chunks_per_w = rows_per_w // CHUNK

  mesh = plsc.VectorSubcoreMesh(core_axis_name="c", subcore_axis_name="s")

  @functools.partial(
      pl.kernel,
      mesh=mesh,
      out_type=[
          jax.ShapeDtypeStruct((BATCH, PACKED), jnp.int32),
          jax.ShapeDtypeStruct((BATCH, PACKED), jnp.int32),
      ],
      scratch_types=[
          pltpu.VMEM((chunks_per_w, 1, CHUNK), jnp.int32),
          pltpu.VMEM((chunks_per_w, 1, CHUNK), jnp.int32),
          pltpu.VMEM((rows_per_w, PACKED), jnp.int32),
          pltpu.SemaphoreType.DMA,
      ],
  )
  def gather_k(uidx_hbm, vidx_hbm, p_hbm, u_out, v_out,
               uidx_v, vidx_v, rows, sem):
    wid = lax.axis_index("s") * nc + lax.axis_index("c")
    idx_base = wid * chunks_per_w
    row_base = wid * rows_per_w
    pltpu.sync_copy(uidx_hbm.at[pl.ds(idx_base, chunks_per_w)], uidx_v)
    pltpu.sync_copy(vidx_hbm.at[pl.ds(idx_base, chunks_per_w)], vidx_v)
    for idx_v, out in ((uidx_v, u_out), (vidx_v, v_out)):
      cps = []
      for c in range(chunks_per_w):
        cps.append(pltpu.async_copy(
            p_hbm.at[idx_v.at[c, 0]], rows.at[pl.ds(c * CHUNK, CHUNK)], sem))
      for cp in cps:
        cp.wait()
      pltpu.sync_copy(rows, out.at[pl.ds(row_base, rows_per_w)])

  return gather_k(uidx3d, vidx3d, P2)


def _unpack(sel_i32, shift_left):
  if shift_left:
    bits = lax.shift_left(sel_i32, 16)
  else:
    bits = jnp.bitwise_and(sel_i32, jnp.int32(-65536))
  return lax.bitcast_convert_type(bits, jnp.float32)


def _mlp_body(u_ref, v_ref, ui_ref, vi_ref, w1a_ref, w1b_ref, b1_ref,
              w2_ref, b2_ref, w3_ref, b3_ref, out_ref):
  um = ui_ref[...] < HALF_M
  vm = vi_ref[...] < HALF_M
  xu = u_ref[...]
  xv = v_ref[...]
  usel = jnp.where(um, xu[:, :EMB_K], xu[:, EMB_K:])
  vsel = jnp.where(vm, xv[:, :EMB_K], xv[:, EMB_K:])
  u = _unpack(usel, False)
  v = _unpack(vsel, True)
  h = jnp.dot(u, w1a_ref[...], preferred_element_type=jnp.float32)
  h += jnp.dot(v, w1b_ref[...], preferred_element_type=jnp.float32)
  h = jnp.maximum(h + b1_ref[...], 0.0)
  h = jnp.dot(h, w2_ref[...], preferred_element_type=jnp.float32)
  h = jnp.maximum(h + b2_ref[...], 0.0)
  out_ref[...] = jnp.sum(h * w3_ref[...], axis=1) + b3_ref[0]


def _mlp_call(U128, V128, uidx, vidx, W1aT, W1bT, b1, W2T, b2, w3, b3):
  blk = 2048
  grid = (BATCH // blk,)
  full = lambda shape: pl.BlockSpec(shape, lambda i: (0,) * len(shape))
  return pl.pallas_call(
      _mlp_body,
      grid=grid,
      in_specs=[
          pl.BlockSpec((blk, PACKED), lambda i: (i, 0)),
          pl.BlockSpec((blk, PACKED), lambda i: (i, 0)),
          pl.BlockSpec((blk, 1), lambda i: (i, 0)),
          pl.BlockSpec((blk, 1), lambda i: (i, 0)),
          full((EMB_K, EMB_K)),
          full((EMB_K, EMB_K)),
          full((1, EMB_K)),
          full((EMB_K, EMB_K)),
          full((1, EMB_K)),
          full((1, EMB_K)),
          full((1,)),
      ],
      out_specs=pl.BlockSpec((blk,), lambda i: (i,)),
      out_shape=jax.ShapeDtypeStruct((BATCH,), jnp.float32),
  )(U128, V128, uidx, vidx, W1aT, W1bT, b1, W2T, b2, w3, b3)


@jax.jit
def kernel(x, W, H, W1, b1, W2, b2, W3, b3):
  uidx = x[:, 0].astype(jnp.int32)
  vidx = x[:, 1].astype(jnp.int32)
  uidx3d = (uidx % HALF_M).reshape(BATCH // CHUNK, 1, CHUNK)
  vidx3d = (vidx % HALF_M).reshape(BATCH // CHUNK, 1, CHUNK)
  P2 = _pack_call(W.T, H.T)
  U128, V128 = _gather_call(uidx3d, vidx3d, P2)
  out = _mlp_call(
      U128, V128, uidx.reshape(BATCH, 1), vidx.reshape(BATCH, 1),
      W1[:, :EMB_K].T, W1[:, EMB_K:].T, b1.reshape(1, EMB_K),
      W2.T, b2.reshape(1, EMB_K),
      W3.reshape(1, EMB_K), b3,
  )
  return out

# --- scband reference (transcript-rebuilt; emitter-appended) ---
"""Pipeline reference for scband-ncf-base-model-3-8589935326 (READ-ONLY COPY).

The authoritative reference and input builder live on the scoring server;
editing this copy changes nothing except your own understanding.
"""

import jax, jax.numpy as jnp
import numpy as np

NUM_USERS = 1000000
NUM_ITEMS = 1000000
EMB_K = 64
BATCH = 16384


def setup_inputs(seed: int = 0) -> dict:
    key = jax.random.key(seed)
    ks = jax.random.split(key, 10)
    x = jax.random.randint(ks[0], (BATCH, 2), 0, NUM_USERS, dtype=jnp.int64) if jax.config.jax_enable_x64 else jax.random.randint(ks[0], (BATCH, 2), 0, NUM_USERS).astype(jnp.int32)
    W = jax.random.normal(ks[1], (NUM_USERS, EMB_K), dtype=jnp.float32)
    H = jax.random.normal(ks[2], (NUM_ITEMS, EMB_K), dtype=jnp.float32)
    # torch Linear default init: U(-1/sqrt(fan_in), 1/sqrt(fan_in)); weights stored [out, in]
    b1_lim = 1.0 / np.sqrt(EMB_K * 2)
    W1 = jax.random.uniform(ks[3], (EMB_K, EMB_K * 2), minval=-b1_lim, maxval=b1_lim, dtype=jnp.float32)
    b1 = jax.random.uniform(ks[4], (EMB_K,), minval=-b1_lim, maxval=b1_lim, dtype=jnp.float32)
    b2_lim = 1.0 / np.sqrt(EMB_K)
    W2 = jax.random.uniform(ks[5], (EMB_K, EMB_K), minval=-b2_lim, maxval=b2_lim, dtype=jnp.float32)
    b2 = jax.random.uniform(ks[6], (EMB_K,), minval=-b2_lim, maxval=b2_lim, dtype=jnp.float32)
    W3 = jax.random.uniform(ks[7], (1, EMB_K), minval=-b2_lim, maxval=b2_lim, dtype=jnp.float32)
    b3 = jax.random.uniform(ks[8], (1,), minval=-b2_lim, maxval=b2_lim, dtype=jnp.float32)
    return {"x": x, "W": W, "H": H, "W1": W1, "b1": b1, "W2": W2, "b2": b2, "W3": W3, "b3": b3}


def reference(x, W, H, W1, b1, W2, b2, W3, b3):
    user_idx = x[:, 0]
    item_idx = x[:, 1]
    U_emb = jnp.take(W, user_idx, axis=0)
    V_emb = jnp.take(H, item_idx, axis=0)
    z_emb = jnp.concatenate([U_emb, V_emb], axis=1)
    h = jnp.maximum(z_emb @ W1.T + b1, 0.0)
    h = jnp.maximum(h @ W2.T + b2, 0.0)
    out = h @ W3.T + b3
    return jnp.squeeze(out)

if __name__ == "__main__":
    import jax
    _d = setup_inputs()
    print(jax.jit(kernel)(*tuple(_d.values())))

</pallas_src>

<mosaic_0001>
#map = affine_map<(d0, d1) -> (0, 0, 0)>
#map1 = affine_map<(d0, d1) -> (0, 0)>
module attributes {stable_mosaic.version = 14 : i64} {
  func.func @gather_k(%arg0: i32, %arg1: i32, %arg2: memref<128x1x128xi32, #tpu.memory_space<hbm>>, %arg3: memref<128x1x128xi32, #tpu.memory_space<hbm>>, %arg4: memref<524288x128xi32, #tpu.memory_space<hbm>>, %arg5: memref<16384x128xi32, #tpu.memory_space<hbm>>, %arg6: memref<16384x128xi32, #tpu.memory_space<hbm>>, %arg7: memref<4x1x128xi32, #tpu.memory_space<vmem>>, %arg8: memref<4x1x128xi32, #tpu.memory_space<vmem>>, %arg9: memref<512x128xi32, #tpu.memory_space<vmem>>, %arg10: memref<!tpu.dma_semaphore, #tpu.memory_space<semaphore_mem>>) attributes {dimension_semantics = [#tpu.dimension_semantics<core_parallel>, #tpu.dimension_semantics<subcore_parallel>], iteration_bounds = array<i64: 2, 16>, scalar_prefetch = 0 : i64, scratch_operands = 4 : i64, tpu.core_type = #tpu.core_type<sc_vector_subcore>, window_params = [{transform_indices = #map}, {transform_indices = #map}, {transform_indices = #map1}, {transform_indices = #map1}, {transform_indices = #map1}]} {
    %mul3A = arith.constant 2 : i32
    %mul3A_0 = arith.muli %arg1, %mul3A : i32
    %add3A = arith.addi %mul3A_0, %arg0 : i32
    %mul3A_1 = arith.constant 4 : i32
    %mul3A_2 = arith.muli %add3A, %mul3A_1 : i32
    %mul3A_3 = arith.constant 512 : i32
    %mul3A_4 = arith.muli %add3A, %mul3A_3 : i32
    "tpu.region"() ({
      %run_scoped3A = tpu.sem_alloc : memref<!tpu.dma_semaphore, #tpu.memory_space<semaphore_mem>>
      %dma_start3A_179 = arith.constant 0 : i32
      %dma_start3A_180 = arith.constant 0 : i32
      %dma_start3A_181 = tpu.memref_slice %arg2[%mul3A_2, %dma_start3A_179, %dma_start3A_180] : memref<128x1x128xi32, #tpu.memory_space<hbm>> -> memref<4x1x128xi32, #tpu.memory_space<hbm>>
      %dma_start3A_182 = arith.constant 0 : i32
      %dma_start3A_183 = arith.constant 0 : i32
      %dma_start3A_184 = tpu.memref_slice %arg2[%mul3A_2, %dma_start3A_182, %dma_start3A_183] : memref<128x1x128xi32, #tpu.memory_space<hbm>> -> memref<4x1x128xi32, #tpu.memory_space<hbm>>
      tpu.enqueue_dma source(%dma_start3A_184 : memref<4x1x128xi32, #tpu.memory_space<hbm>>) target(%arg7 : memref<4x1x128xi32, #tpu.memory_space<vmem>>) target_semaphore(%run_scoped3A : memref<!tpu.dma_semaphore, #tpu.memory_space<semaphore_mem>>)
      %dma_wait3A_185 = arith.constant 0 : i32
      %dma_wait3A_186 = arith.constant 0 : i32
      %dma_wait3A_187 = tpu.memref_slice %arg2[%mul3A_2, %dma_wait3A_185, %dma_wait3A_186] : memref<128x1x128xi32, #tpu.memory_space<hbm>> -> memref<4x1x128xi32, #tpu.memory_space<hbm>>
      %dma_wait3A_188 = arith.constant 0 : i32
      %dma_wait3A_189 = arith.constant 0 : i32
      %dma_wait3A_190 = tpu.memref_slice %arg2[%mul3A_2, %dma_wait3A_188, %dma_wait3A_189] : memref<128x1x128xi32, #tpu.memory_space<hbm>> -> memref<4x1x128xi32, #tpu.memory_space<hbm>>
      tpu.wait_dma2 semaphore(%run_scoped3A : memref<!tpu.dma_semaphore, #tpu.memory_space<semaphore_mem>>) src(%dma_wait3A_190 : memref<4x1x128xi32, #tpu.memory_space<hbm>>) dst(%arg7 : memref<4x1x128xi32, #tpu.memory_space<vmem>>)
      tpu.yield
    }) : () -> ()
    "tpu.region"() ({
      %run_scoped3A = tpu.sem_alloc : memref<!tpu.dma_semaphore, #tpu.memory_space<semaphore_mem>>
      %dma_start3A_179 = arith.constant 0 : i32
      %dma_start3A_180 = arith.constant 0 : i32
      %dma_start3A_181 = tpu.memref_slice %arg3[%mul3A_2, %dma_start3A_179, %dma_start3A_180] : memref<128x1x128xi32, #tpu.memory_space<hbm>> -> memref<4x1x128xi32, #tpu.memory_space<hbm>>
      %dma_start3A_182 = arith.constant 0 : i32
      %dma_start3A_183 = arith.constant 0 : i32
      %dma_start3A_184 = tpu.memref_slice %arg3[%mul3A_2, %dma_start3A_182, %dma_start3A_183] : memref<128x1x128xi32, #tpu.memory_space<hbm>> -> memref<4x1x128xi32, #tpu.memory_space<hbm>>
      tpu.enqueue_dma source(%dma_start3A_184 : memref<4x1x128xi32, #tpu.memory_space<hbm>>) target(%arg8 : memref<4x1x128xi32, #tpu.memory_space<vmem>>) target_semaphore(%run_scoped3A : memref<!tpu.dma_semaphore, #tpu.memory_space<semaphore_mem>>)
      %dma_wait3A_185 = arith.constant 0 : i32
      %dma_wait3A_186 = arith.constant 0 : i32
      %dma_wait3A_187 = tpu.memref_slice %arg3[%mul3A_2, %dma_wait3A_185, %dma_wait3A_186] : memref<128x1x128xi32, #tpu.memory_space<hbm>> -> memref<4x1x128xi32, #tpu.memory_space<hbm>>
      %dma_wait3A_188 = arith.constant 0 : i32
      %dma_wait3A_189 = arith.constant 0 : i32
      %dma_wait3A_190 = tpu.memref_slice %arg3[%mul3A_2, %dma_wait3A_188, %dma_wait3A_189] : memref<128x1x128xi32, #tpu.memory_space<hbm>> -> memref<4x1x128xi32, #tpu.memory_space<hbm>>
      tpu.wait_dma2 semaphore(%run_scoped3A : memref<!tpu.dma_semaphore, #tpu.memory_space<semaphore_mem>>) src(%dma_wait3A_190 : memref<4x1x128xi32, #tpu.memory_space<hbm>>) dst(%arg8 : memref<4x1x128xi32, #tpu.memory_space<vmem>>)
      tpu.yield
    }) : () -> ()
    %dma_start3A = arith.constant 0 : i32
    %dma_start3A_5 = arith.constant 0 : i32
    %dma_start3A_6 = arith.constant 0 : i32
    %dma_start3A_7 = arith.constant 0 : i32
    %dma_start3A_8 = tpu.memref_slice %arg9[%dma_start3A_6, %dma_start3A_7] : memref<512x128xi32, #tpu.memory_space<vmem>> -> memref<128x128xi32, #tpu.memory_space<vmem>>
    %dma_start3A_9 = arith.constant 0 : i32
    %dma_start3A_10 = tpu.memref_slice %arg7[%dma_start3A, %dma_start3A_5, %dma_start3A_9] : memref<4x1x128xi32, #tpu.memory_space<vmem>> -> memref<1x1x128xi32, #tpu.memory_space<vmem>>
    %dma_start3A_11 = tpu.memref_squeeze %dma_start3A_10 : memref<1x1x128xi32, #tpu.memory_space<vmem>> -> memref<128xi32, #tpu.memory_space<vmem>>
    %dma_start3A_12 = arith.constant 0 : i32
    %dma_start3A_13 = arith.constant 0 : i32
    %dma_start3A_14 = tpu.memref_slice %arg4[%dma_start3A_12, %dma_start3A_13] : memref<524288x128xi32, #tpu.memory_space<hbm>> -> memref<524288x128xi32, #tpu.memory_space<hbm>>
    tpu.enqueue_indirect_dma source(%dma_start3A_14 : memref<524288x128xi32, #tpu.memory_space<hbm>>) target(%dma_start3A_8 : memref<128x128xi32, #tpu.memory_space<vmem>>) offsets(%dma_start3A_11 : memref<128xi32, #tpu.memory_space<vmem>>) semaphore(%arg10 : memref<!tpu.dma_semaphore, #tpu.memory_space<semaphore_mem>>)
    %dma_start3A_15 = arith.constant 1 : i32
    %dma_start3A_16 = arith.constant 0 : i32
    %dma_start3A_17 = arith.constant 128 : i32
    %dma_start3A_18 = arith.constant 0 : i32
    %dma_start3A_19 = tpu.memref_slice %arg9[%dma_start3A_17, %dma_start3A_18] : memref<512x128xi32, #tpu.memory_space<vmem>> -> memref<128x128xi32, #tpu.memory_space<vmem>>
    %dma_start3A_20 = arith.constant 0 : i32
    %dma_start3A_21 = tpu.memref_slice %arg7[%dma_start3A_15, %dma_start3A_16, %dma_start3A_20] : memref<4x1x128xi32, #tpu.memory_space<vmem>> -> memref<1x1x128xi32, #tpu.memory_space<vmem>>
    %dma_start3A_22 = tpu.memref_squeeze %dma_start3A_21 : memref<1x1x128xi32, #tpu.memory_space<vmem>> -> memref<128xi32, #tpu.memory_space<vmem>>
    %dma_start3A_23 = arith.constant 0 : i32
    %dma_start3A_24 = arith.constant 0 : i32
    %dma_start3A_25 = tpu.memref_slice %arg4[%dma_start3A_23, %dma_start3A_24] : memref<524288x128xi32, #tpu.memory_space<hbm>> -> memref<524288x128xi32, #tpu.memory_space<hbm>>
    tpu.enqueue_indirect_dma source(%dma_start3A_25 : memref<524288x128xi32, #tpu.memory_space<hbm>>) target(%dma_start3A_19 : memref<128x128xi32, #tpu.memory_space<vmem>>) offsets(%dma_start3A_22 : memref<128xi32, #tpu.memory_space<vmem>>) semaphore(%arg10 : memref<!tpu.dma_semaphore, #tpu.memory_space<semaphore_mem>>)
    %dma_start3A_26 = arith.constant 2 : i32
    %dma_start3A_27 = arith.constant 0 : i32
    %dma_start3A_28 = arith.constant 256 : i32
    %dma_start3A_29 = arith.constant 0 : i32
    %dma_start3A_30 = tpu.memref_slice %arg9[%dma_start3A_28, %dma_start3A_29] : memref<512x128xi32, #tpu.memory_space<vmem>> -> memref<128x128xi32, #tpu.memory_space<vmem>>
    %dma_start3A_31 = arith.constant 0 : i32
    %dma_start3A_32 = tpu.memref_slice %arg7[%dma_start3A_26, %dma_start3A_27, %dma_start3A_31] : memref<4x1x128xi32, #tpu.memory_space<vmem>> -> memref<1x1x128xi32, #tpu.memory_space<vmem>>
    %dma_start3A_33 = tpu.memref_squeeze %dma_start3A_32 : memref<1x1x128xi32, #tpu.memory_space<vmem>> -> memref<128xi32, #tpu.memory_space<vmem>>
    %dma_start3A_34 = arith.constant 0 : i32
    %dma_start3A_35 = arith.constant 0 : i32
    %dma_start3A_36 = tpu.memref_slice %arg4[%dma_start3A_34, %dma_start3A_35] : memref<524288x128xi32, #tpu.memory_space<hbm>> -> memref<524288x128xi32, #tpu.memory_space<hbm>>
    tpu.enqueue_indirect_dma source(%dma_start3A_36 : memref<524288x128xi32, #tpu.memory_space<hbm>>) target(%dma_start3A_30 : memref<128x128xi32, #tpu.memory_space<vmem>>) offsets(%dma_start3A_33 : memref<128xi32, #tpu.memory_space<vmem>>) semaphore(%arg10 : memref<!tpu.dma_semaphore, #tpu.memory_space<semaphore_mem>>)
    %dma_start3A_37 = arith.constant 3 : i32
    %dma_start3A_38 = arith.constant 0 : i32
    %dma_start3A_39 = arith.constant 384 : i32
    %dma_start3A_40 = arith.constant 0 : i32
    %dma_start3A_41 = tpu.memref_slice %arg9[%dma_start3A_39, %dma_start3A_40] : memref<512x128xi32, #tpu.memory_space<vmem>> -> memref<128x128xi32, #tpu.memory_space<vmem>>
    %dma_start3A_42 = arith.constant 0 : i32
    %dma_start3A_43 = tpu.memref_slice %arg7[%dma_start3A_37, %dma_start3A_38, %dma_start3A_42] : memref<4x1x128xi32, #tpu.memory_space<vmem>> -> memref<1x1x128xi32, #tpu.memory_space<vmem>>
    %dma_start3A_44 = tpu.memref_squeeze %dma_start3A_43 : memref<1x1x128xi32, #tpu.memory_space<vmem>> -> memref<128xi32, #tpu.memory_space<vmem>>
    %dma_start3A_45 = arith.constant 0 : i32
    %dma_start3A_46 = arith.constant 0 : i32
    %dma_start3A_47 = tpu.memref_slice %arg4[%dma_start3A_45, %dma_start3A_46] : memref<524288x128xi32, #tpu.memory_space<hbm>> -> memref<524288x128xi32, #tpu.memory_space<hbm>>
    tpu.enqueue_indirect_dma source(%dma_start3A_47 : memref<524288x128xi32, #tpu.memory_space<hbm>>) target(%dma_start3A_41 : memref<128x128xi32, #tpu.memory_space<vmem>>) offsets(%dma_start3A_44 : memref<128xi32, #tpu.memory_space<vmem>>) semaphore(%arg10 : memref<!tpu.dma_semaphore, #tpu.memory_space<semaphore_mem>>)
    %dma_wait3A = arith.constant 0 : i32
    %dma_wait3A_48 = arith.constant 0 : i32
    %dma_wait3A_49 = arith.constant 0 : i32
    %dma_wait3A_50 = arith.constant 0 : i32
    %dma_wait3A_51 = tpu.memref_slice %arg9[%dma_wait3A_49, %dma_wait3A_50] : memref<512x128xi32, #tpu.memory_space<vmem>> -> memref<128x128xi32, #tpu.memory_space<vmem>>
    %dma_wait3A_52 = arith.constant 0 : i32
    %dma_wait3A_53 = tpu.memref_slice %arg7[%dma_wait3A, %dma_wait3A_48, %dma_wait3A_52] : memref<4x1x128xi32, #tpu.memory_space<vmem>> -> memref<1x1x128xi32, #tpu.memory_space<vmem>>
    %dma_wait3A_54 = tpu.memref_squeeze %dma_wait3A_53 : memref<1x1x128xi32, #tpu.memory_space<vmem>> -> memref<128xi32, #tpu.memory_space<vmem>>
    %dma_wait3A_55 = arith.constant 0 : i32
    %dma_wait3A_56 = arith.constant 0 : i32
    %dma_wait3A_57 = tpu.memref_slice %arg4[%dma_wait3A_55, %dma_wait3A_56] : memref<524288x128xi32, #tpu.memory_space<hbm>> -> memref<524288x128xi32, #tpu.memory_space<hbm>>
    tpu.wait_indirect_dma semaphore(%arg10 : memref<!tpu.dma_semaphore, #tpu.memory_space<semaphore_mem>>) src(%dma_wait3A_57 : memref<524288x128xi32, #tpu.memory_space<hbm>>) dst(%dma_wait3A_51 : memref<128x128xi32, #tpu.memory_space<vmem>>)
    %dma_wait3A_58 = arith.constant 1 : i32
    %dma_wait3A_59 = arith.constant 0 : i32
    %dma_wait3A_60 = arith.constant 128 : i32
    %dma_wait3A_61 = arith.constant 0 : i32
    %dma_wait3A_62 = tpu.memref_slice %arg9[%dma_wait3A_60, %dma_wait3A_61] : memref<512x128xi32, #tpu.memory_space<vmem>> -> memref<128x128xi32, #tpu.memory_space<vmem>>
    %dma_wait3A_63 = arith.constant 0 : i32
    %dma_wait3A_64 = tpu.memref_slice %arg7[%dma_wait3A_58, %dma_wait3A_59, %dma_wait3A_63] : memref<4x1x128xi32, #tpu.memory_space<vmem>> -> memref<1x1x128xi32, #tpu.memory_space<vmem>>
    %dma_wait3A_65 = tpu.memref_squeeze %dma_wait3A_64 : memref<1x1x128xi32, #tpu.memory_space<vmem>> -> memref<128xi32, #tpu.memory_space<vmem>>
    %dma_wait3A_66 = arith.constant 0 : i32
    %dma_wait3A_67 = arith.constant 0 : i32
    %dma_wait3A_68 = tpu.memref_slice %arg4[%dma_wait3A_66, %dma_wait3A_67] : memref<524288x128xi32, #tpu.memory_space<hbm>> -> memref<524288x128xi32, #tpu.memory_space<hbm>>
    tpu.wait_indirect_dma semaphore(%arg10 : memref<!tpu.dma_semaphore, #tpu.memory_space<semaphore_mem>>) src(%dma_wait3A_68 : memref<524288x128xi32, #tpu.memory_space<hbm>>) dst(%dma_wait3A_62 : memref<128x128xi32, #tpu.memory_space<vmem>>)
    %dma_wait3A_69 = arith.constant 2 : i32
    %dma_wait3A_70 = arith.constant 0 : i32
    %dma_wait3A_71 = arith.constant 256 : i32
    %dma_wait3A_72 = arith.constant 0 : i32
    %dma_wait3A_73 = tpu.memref_slice %arg9[%dma_wait3A_71, %dma_wait3A_72] : memref<512x128xi32, #tpu.memory_space<vmem>> -> memref<128x128xi32, #tpu.memory_space<vmem>>
    %dma_wait3A_74 = arith.constant 0 : i32
    %dma_wait3A_75 = tpu.memref_slice %arg7[%dma_wait3A_69, %dma_wait3A_70, %dma_wait3A_74] : memref<4x1x128xi32, #tpu.memory_space<vmem>> -> memref<1x1x128xi32, #tpu.memory_space<vmem>>
    %dma_wait3A_76 = tpu.memref_squeeze %dma_wait3A_75 : memref<1x1x128xi32, #tpu.memory_space<vmem>> -> memref<128xi32, #tpu.memory_space<vmem>>
    %dma_wait3A_77 = arith.constant 0 : i32
    %dma_wait3A_78 = arith.constant 0 : i32
    %dma_wait3A_79 = tpu.memref_slice %arg4[%dma_wait3A_77, %dma_wait3A_78] : memref<524288x128xi32, #tpu.memory_space<hbm>> -> memref<524288x128xi32, #tpu.memory_space<hbm>>
    tpu.wait_indirect_dma semaphore(%arg10 : memref<!tpu.dma_semaphore, #tpu.memory_space<semaphore_mem>>) src(%dma_wait3A_79 : memref<524288x128xi32, #tpu.memory_space<hbm>>) dst(%dma_wait3A_73 : memref<128x128xi32, #tpu.memory_space<vmem>>)
    %dma_wait3A_80 = arith.constant 3 : i32
    %dma_wait3A_81 = arith.constant 0 : i32
    %dma_wait3A_82 = arith.constant 384 : i32
    %dma_wait3A_83 = arith.constant 0 : i32
    %dma_wait3A_84 = tpu.memref_slice %arg9[%dma_wait3A_82, %dma_wait3A_83] : memref<512x128xi32, #tpu.memory_space<vmem>> -> memref<128x128xi32, #tpu.memory_space<vmem>>
    %dma_wait3A_85 = arith.constant 0 : i32
    %dma_wait3A_86 = tpu.memref_slice %arg7[%dma_wait3A_80, %dma_wait3A_81, %dma_wait3A_85] : memref<4x1x128xi32, #tpu.memory_space<vmem>> -> memref<1x1x128xi32, #tpu.memory_space<vmem>>
    %dma_wait3A_87 = tpu.memref_squeeze %dma_wait3A_86 : memref<1x1x128xi32, #tpu.memory_space<vmem>> -> memref<128xi32, #tpu.memory_space<vmem>>
    %dma_wait3A_88 = arith.constant 0 : i32
    %dma_wait3A_89 = arith.constant 0 : i32
    %dma_wait3A_90 = tpu.memref_slice %arg4[%dma_wait3A_88, %dma_wait3A_89] : memref<524288x128xi32, #tpu.memory_space<hbm>> -> memref<524288x128xi32, #tpu.memory_space<hbm>>
    tpu.wait_indirect_dma semaphore(%arg10 : memref<!tpu.dma_semaphore, #tpu.memory_space<semaphore_mem>>) src(%dma_wait3A_90 : memref<524288x128xi32, #tpu.memory_space<hbm>>) dst(%dma_wait3A_84 : memref<128x128xi32, #tpu.memory_space<vmem>>)
    "tpu.region"() ({
      %run_scoped3A = tpu.sem_alloc : memref<!tpu.dma_semaphore, #tpu.memory_space<semaphore_mem>>
      %dma_start3A_179 = arith.constant 0 : i32
      %dma_start3A_180 = tpu.memref_slice %arg5[%mul3A_4, %dma_start3A_179] : memref<16384x128xi32, #tpu.memory_space<hbm>> -> memref<512x128xi32, #tpu.memory_space<hbm>>
      %dma_start3A_181 = arith.constant 0 : i32
      %dma_start3A_182 = tpu.memref_slice %arg5[%mul3A_4, %dma_start3A_181] : memref<16384x128xi32, #tpu.memory_space<hbm>> -> memref<512x128xi32, #tpu.memory_space<hbm>>
      tpu.enqueue_dma source(%arg9 : memref<512x128xi32, #tpu.memory_space<vmem>>) target(%dma_start3A_182 : memref<512x128xi32, #tpu.memory_space<hbm>>) target_semaphore(%run_scoped3A : memref<!tpu.dma_semaphore, #tpu.memory_space<semaphore_mem>>)
      %dma_wait3A_183 = arith.constant 0 : i32
      %dma_wait3A_184 = tpu.memref_slice %arg5[%mul3A_4, %dma_wait3A_183] : memref<16384x128xi32, #tpu.memory_space<hbm>> -> memref<512x128xi32, #tpu.memory_space<hbm>>
      %dma_wait3A_185 = arith.constant 0 : i32
      %dma_wait3A_186 = tpu.memref_slice %arg5[%mul3A_4, %dma_wait3A_185] : memref<16384x128xi32, #tpu.memory_space<hbm>> -> memref<512x128xi32, #tpu.memory_space<hbm>>
      tpu.wait_dma2 semaphore(%run_scoped3A : memref<!tpu.dma_semaphore, #tpu.memory_space<semaphore_mem>>) src(%arg9 : memref<512x128xi32, #tpu.memory_space<vmem>>) dst(%dma_wait3A_186 : memref<512x128xi32, #tpu.memory_space<hbm>>)
      tpu.yield
    }) : () -> ()
    %dma_start3A_91 = arith.constant 0 : i32
    %dma_start3A_92 = arith.constant 0 : i32
    %dma_start3A_93 = arith.constant 0 : i32
    %dma_start3A_94 = arith.constant 0 : i32
    %dma_start3A_95 = tpu.memref_slice %arg9[%dma_start3A_93, %dma_start3A_94] : memref<512x128xi32, #tpu.memory_space<vmem>> -> memref<128x128xi32, #tpu.memory_space<vmem>>
    %dma_start3A_96 = arith.constant 0 : i32
    %dma_start3A_97 = tpu.memref_slice %arg8[%dma_start3A_91, %dma_start3A_92, %dma_start3A_96] : memref<4x1x128xi32, #tpu.memory_space<vmem>> -> memref<1x1x128xi32, #tpu.memory_space<vmem>>
    %dma_start3A_98 = tpu.memref_squeeze %dma_start3A_97 : memref<1x1x128xi32, #tpu.memory_space<vmem>> -> memref<128xi32, #tpu.memory_space<vmem>>
    %dma_start3A_99 = arith.constant 0 : i32
    %dma_start3A_100 = arith.constant 0 : i32
    %dma_start3A_101 = tpu.memref_slice %arg4[%dma_start3A_99, %dma_start3A_100] : memref<524288x128xi32, #tpu.memory_space<hbm>> -> memref<524288x128xi32, #tpu.memory_space<hbm>>
    tpu.enqueue_indirect_dma source(%dma_start3A_101 : memref<524288x128xi32, #tpu.memory_space<hbm>>) target(%dma_start3A_95 : memref<128x128xi32, #tpu.memory_space<vmem>>) offsets(%dma_start3A_98 : memref<128xi32, #tpu.memory_space<vmem>>) semaphore(%arg10 : memref<!tpu.dma_semaphore, #tpu.memory_space<semaphore_mem>>)
    %dma_start3A_102 = arith.constant 1 : i32
    %dma_start3A_103 = arith.constant 0 : i32
    %dma_start3A_104 = arith.constant 128 : i32
    %dma_start3A_105 = arith.constant 0 : i32
    %dma_start3A_106 = tpu.memref_slice %arg9[%dma_start3A_104, %dma_start3A_105] : memref<512x128xi32, #tpu.memory_space<vmem>> -> memref<128x128xi32, #tpu.memory_space<vmem>>
    %dma_start3A_107 = arith.constant 0 : i32
    %dma_start3A_108 = tpu.memref_slice %arg8[%dma_start3A_102, %dma_start3A_103, %dma_start3A_107] : memref<4x1x128xi32, #tpu.memory_space<vmem>> -> memref<1x1x128xi32, #tpu.memory_space<vmem>>
    %dma_start3A_109 = tpu.memref_squeeze %dma_start3A_108 : memref<1x1x128xi32, #tpu.memory_space<vmem>> -> memref<128xi32, #tpu.memory_space<vmem>>
    %dma_start3A_110 = arith.constant 0 : i32
    %dma_start3A_111 = arith.constant 0 : i32
    %dma_start3A_112 = tpu.memref_slice %arg4[%dma_start3A_110, %dma_start3A_111] : memref<524288x128xi32, #tpu.memory_space<hbm>> -> memref<524288x128xi32, #tpu.memory_space<hbm>>
    tpu.enqueue_indirect_dma source(%dma_start3A_112 : memref<524288x128xi32, #tpu.memory_space<hbm>>) target(%dma_start3A_106 : memref<128x128xi32, #tpu.memory_space<vmem>>) offsets(%dma_start3A_109 : memref<128xi32, #tpu.memory_space<vmem>>) semaphore(%arg10 : memref<!tpu.dma_semaphore, #tpu.memory_space<semaphore_mem>>)
    %dma_start3A_113 = arith.constant 2 : i32
    %dma_start3A_114 = arith.constant 0 : i32
    %dma_start3A_115 = arith.constant 256 : i32
    %dma_start3A_116 = arith.constant 0 : i32
    %dma_start3A_117 = tpu.memref_slice %arg9[%dma_start3A_115, %dma_start3A_116] : memref<512x128xi32, #tpu.memory_space<vmem>> -> memref<128x128xi32, #tpu.memory_space<vmem>>
    %dma_start3A_118 = arith.constant 0 : i32
    %dma_start3A_119 = tpu.memref_slice %arg8[%dma_start3A_113, %dma_start3A_114, %dma_start3A_118] : memref<4x1x128xi32, #tpu.memory_space<vmem>> -> memref<1x1x128xi32, #tpu.memory_space<vmem>>
    %dma_start3A_120 = tpu.memref_squeeze %dma_start3A_119 : memref<1x1x128xi32, #tpu.memory_space<vmem>> -> memref<128xi32, #tpu.memory_space<vmem>>
    %dma_start3A_121 = arith.constant 0 : i32
    %dma_start3A_122 = arith.constant 0 : i32
    %dma_start3A_123 = tpu.memref_slice %arg4[%dma_start3A_121, %dma_start3A_122] : memref<524288x128xi32, #tpu.memory_space<hbm>> -> memref<524288x128xi32, #tpu.memory_space<hbm>>
    tpu.enqueue_indirect_dma source(%dma_start3A_123 : memref<524288x128xi32, #tpu.memory_space<hbm>>) target(%dma_start3A_117 : memref<128x128xi32, #tpu.memory_space<vmem>>) offsets(%dma_start3A_120 : memref<128xi32, #tpu.memory_space<vmem>>) semaphore(%arg10 : memref<!tpu.dma_semaphore, #tpu.memory_space<semaphore_mem>>)
    %dma_start3A_124 = arith.constant 3 : i32
    %dma_start3A_125 = arith.constant 0 : i32
    %dma_start3A_126 = arith.constant 384 : i32
    %dma_start3A_127 = arith.constant 0 : i32
    %dma_start3A_128 = tpu.memref_slice %arg9[%dma_start3A_126, %dma_start3A_127] : memref<512x128xi32, #tpu.memory_space<vmem>> -> memref<128x128xi32, #tpu.memory_space<vmem>>
    %dma_start3A_129 = arith.constant 0 : i32
    %dma_start3A_130 = tpu.memref_slice %arg8[%dma_start3A_124, %dma_start3A_125, %dma_start3A_129] : memref<4x1x128xi32, #tpu.memory_space<vmem>> -> memref<1x1x128xi32, #tpu.memory_space<vmem>>
    %dma_start3A_131 = tpu.memref_squeeze %dma_start3A_130 : memref<1x1x128xi32, #tpu.memory_space<vmem>> -> memref<128xi32, #tpu.memory_space<vmem>>
    %dma_start3A_132 = arith.constant 0 : i32
    %dma_start3A_133 = arith.constant 0 : i32
    %dma_start3A_134 = tpu.memref_slice %arg4[%dma_start3A_132, %dma_start3A_133] : memref<524288x128xi32, #tpu.memory_space<hbm>> -> memref<524288x128xi32, #tpu.memory_space<hbm>>
    tpu.enqueue_indirect_dma source(%dma_start3A_134 : memref<524288x128xi32, #tpu.memory_space<hbm>>) target(%dma_start3A_128 : memref<128x128xi32, #tpu.memory_space<vmem>>) offsets(%dma_start3A_131 : memref<128xi32, #tpu.memory_space<vmem>>) semaphore(%arg10 : memref<!tpu.dma_semaphore, #tpu.memory_space<semaphore_mem>>)
    %dma_wait3A_135 = arith.constant 0 : i32
    %dma_wait3A_136 = arith.constant 0 : i32
    %dma_wait3A_137 = arith.constant 0 : i32
    %dma_wait3A_138 = arith.constant 0 : i32
    %dma_wait3A_139 = tpu.memref_slice %arg9[%dma_wait3A_137, %dma_wait3A_138] : memref<512x128xi32, #tpu.memory_space<vmem>> -> memref<128x128xi32, #tpu.memory_space<vmem>>
    %dma_wait3A_140 = arith.constant 0 : i32
    %dma_wait3A_141 = tpu.memref_slice %arg8[%dma_wait3A_135, %dma_wait3A_136, %dma_wait3A_140] : memref<4x1x128xi32, #tpu.memory_space<vmem>> -> memref<1x1x128xi32, #tpu.memory_space<vmem>>
    %dma_wait3A_142 = tpu.memref_squeeze %dma_wait3A_141 : memref<1x1x128xi32, #tpu.memory_space<vmem>> -> memref<128xi32, #tpu.memory_space<vmem>>
    %dma_wait3A_143 = arith.constant 0 : i32
    %dma_wait3A_144 = arith.constant 0 : i32
    %dma_wait3A_145 = tpu.memref_slice %arg4[%dma_wait3A_143, %dma_wait3A_144] : memref<524288x128xi32, #tpu.memory_space<hbm>> -> memref<524288x128xi32, #tpu.memory_space<hbm>>
    tpu.wait_indirect_dma semaphore(%arg10 : memref<!tpu.dma_semaphore, #tpu.memory_space<semaphore_mem>>) src(%dma_wait3A_145 : memref<524288x128xi32, #tpu.memory_space<hbm>>) dst(%dma_wait3A_139 : memref<128x128xi32, #tpu.memory_space<vmem>>)
    %dma_wait3A_146 = arith.constant 1 : i32
    %dma_wait3A_147 = arith.constant 0 : i32
    %dma_wait3A_148 = arith.constant 128 : i32
    %dma_wait3A_149 = arith.constant 0 : i32
    %dma_wait3A_150 = tpu.memref_slice %arg9[%dma_wait3A_148, %dma_wait3A_149] : memref<512x128xi32, #tpu.memory_space<vmem>> -> memref<128x128xi32, #tpu.memory_space<vmem>>
    %dma_wait3A_151 = arith.constant 0 : i32
    %dma_wait3A_152 = tpu.memref_slice %arg8[%dma_wait3A_146, %dma_wait3A_147, %dma_wait3A_151] : memref<4x1x128xi32, #tpu.memory_space<vmem>> -> memref<1x1x128xi32, #tpu.memory_space<vmem>>
    %dma_wait3A_153 = tpu.memref_squeeze %dma_wait3A_152 : memref<1x1x128xi32, #tpu.memory_space<vmem>> -> memref<128xi32, #tpu.memory_space<vmem>>
    %dma_wait3A_154 = arith.constant 0 : i32
    %dma_wait3A_155 = arith.constant 0 : i32
    %dma_wait3A_156 = tpu.memref_slice %arg4[%dma_wait3A_154, %dma_wait3A_155] : memref<524288x128xi32, #tpu.memory_space<hbm>> -> memref<524288x128xi32, #tpu.memory_space<hbm>>
    tpu.wait_indirect_dma semaphore(%arg10 : memref<!tpu.dma_semaphore, #tpu.memory_space<semaphore_mem>>) src(%dma_wait3A_156 : memref<524288x128xi32, #tpu.memory_space<hbm>>) dst(%dma_wait3A_150 : memref<128x128xi32, #tpu.memory_space<vmem>>)
    %dma_wait3A_157 = arith.constant 2 : i32
    %dma_wait3A_158 = arith.constant 0 : i32
    %dma_wait3A_159 = arith.constant 256 : i32
    %dma_wait3A_160 = arith.constant 0 : i32
    %dma_wait3A_161 = tpu.memref_slice %arg9[%dma_wait3A_159, %dma_wait3A_160] : memref<512x128xi32, #tpu.memory_space<vmem>> -> memref<128x128xi32, #tpu.memory_space<vmem>>
    %dma_wait3A_162 = arith.constant 0 : i32
    %dma_wait3A_163 = tpu.memref_slice %arg8[%dma_wait3A_157, %dma_wait3A_158, %dma_wait3A_162] : memref<4x1x128xi32, #tpu.memory_space<vmem>> -> memref<1x1x128xi32, #tpu.memory_space<vmem>>
    %dma_wait3A_164 = tpu.memref_squeeze %dma_wait3A_163 : memref<1x1x128xi32, #tpu.memory_space<vmem>> -> memref<128xi32, #tpu.memory_space<vmem>>
    %dma_wait3A_165 = arith.constant 0 : i32
    %dma_wait3A_166 = arith.constant 0 : i32
    %dma_wait3A_167 = tpu.memref_slice %arg4[%dma_wait3A_165, %dma_wait3A_166] : memref<524288x128xi32, #tpu.memory_space<hbm>> -> memref<524288x128xi32, #tpu.memory_space<hbm>>
    tpu.wait_indirect_dma semaphore(%arg10 : memref<!tpu.dma_semaphore, #tpu.memory_space<semaphore_mem>>) src(%dma_wait3A_167 : memref<524288x128xi32, #tpu.memory_space<hbm>>) dst(%dma_wait3A_161 : memref<128x128xi32, #tpu.memory_space<vmem>>)
    %dma_wait3A_168 = arith.constant 3 : i32
    %dma_wait3A_169 = arith.constant 0 : i32
    %dma_wait3A_170 = arith.constant 384 : i32
    %dma_wait3A_171 = arith.constant 0 : i32
    %dma_wait3A_172 = tpu.memref_slice %arg9[%dma_wait3A_170, %dma_wait3A_171] : memref<512x128xi32, #tpu.memory_space<vmem>> -> memref<128x128xi32, #tpu.memory_space<vmem>>
    %dma_wait3A_173 = arith.constant 0 : i32
    %dma_wait3A_174 = tpu.memref_slice %arg8[%dma_wait3A_168, %dma_wait3A_169, %dma_wait3A_173] : memref<4x1x128xi32, #tpu.memory_space<vmem>> -> memref<1x1x128xi32, #tpu.memory_space<vmem>>
    %dma_wait3A_175 = tpu.memref_squeeze %dma_wait3A_174 : memref<1x1x128xi32, #tpu.memory_space<vmem>> -> memref<128xi32, #tpu.memory_space<vmem>>
    %dma_wait3A_176 = arith.constant 0 : i32
    %dma_wait3A_177 = arith.constant 0 : i32
    %dma_wait3A_178 = tpu.memref_slice %arg4[%dma_wait3A_176, %dma_wait3A_177] : memref<524288x128xi32, #tpu.memory_space<hbm>> -> memref<524288x128xi32, #tpu.memory_space<hbm>>
    tpu.wait_indirect_dma semaphore(%arg10 : memref<!tpu.dma_semaphore, #tpu.memory_space<semaphore_mem>>) src(%dma_wait3A_178 : memref<524288x128xi32, #tpu.memory_space<hbm>>) dst(%dma_wait3A_172 : memref<128x128xi32, #tpu.memory_space<vmem>>)
    "tpu.region"() ({
      %run_scoped3A = tpu.sem_alloc : memref<!tpu.dma_semaphore, #tpu.memory_space<semaphore_mem>>
      %dma_start3A_179 = arith.constant 0 : i32
      %dma_start3A_180 = tpu.memref_slice %arg6[%mul3A_4, %dma_start3A_179] : memref<16384x128xi32, #tpu.memory_space<hbm>> -> memref<512x128xi32, #tpu.memory_space<hbm>>
      %dma_start3A_181 = arith.constant 0 : i32
      %dma_start3A_182 = tpu.memref_slice %arg6[%mul3A_4, %dma_start3A_181] : memref<16384x128xi32, #tpu.memory_space<hbm>> -> memref<512x128xi32, #tpu.memory_space<hbm>>
      tpu.enqueue_dma source(%arg9 : memref<512x128xi32, #tpu.memory_space<vmem>>) target(%dma_start3A_182 : memref<512x128xi32, #tpu.memory_space<hbm>>) target_semaphore(%run_scoped3A : memref<!tpu.dma_semaphore, #tpu.memory_space<semaphore_mem>>)
      %dma_wait3A_183 = arith.constant 0 : i32
      %dma_wait3A_184 = tpu.memref_slice %arg6[%mul3A_4, %dma_wait3A_183] : memref<16384x128xi32, #tpu.memory_space<hbm>> -> memref<512x128xi32, #tpu.memory_space<hbm>>
      %dma_wait3A_185 = arith.constant 0 : i32
      %dma_wait3A_186 = tpu.memref_slice %arg6[%mul3A_4, %dma_wait3A_185] : memref<16384x128xi32, #tpu.memory_space<hbm>> -> memref<512x128xi32, #tpu.memory_space<hbm>>
      tpu.wait_dma2 semaphore(%run_scoped3A : memref<!tpu.dma_semaphore, #tpu.memory_space<semaphore_mem>>) src(%arg9 : memref<512x128xi32, #tpu.memory_space<vmem>>) dst(%dma_wait3A_186 : memref<512x128xi32, #tpu.memory_space<hbm>>)
      tpu.yield
    }) : () -> ()
    return
  }
}

module attributes {stable_mosaic.version = 14 : i64} {
  func.func @_pack_body(%arg0: i32, %arg1: memref<64x16384xf32, #tpu.memory_space<vmem>>, %arg2: memref<64x16384xf32, #tpu.memory_space<vmem>>, %arg3: memref<64x16384xf32, #tpu.memory_space<vmem>>, %arg4: memref<64x16384xf32, #tpu.memory_space<vmem>>, %arg5: memref<64x64xf32, #tpu.memory_space<vmem>>, %arg6: memref<16384x128xi32, #tpu.memory_space<vmem>>) attributes {dimension_semantics = [#tpu.dimension_semantics<arbitrary>], iteration_bounds = array<i64: 32>, scalar_prefetch = 0 : i64, scratch_operands = 0 : i64, tpu.core_type = #tpu.core_type<tc>, window_params = [{transform_indices = @transform_0, window_bounds = array<i64: 64, 16384>}, {transform_indices = @transform_1, window_bounds = array<i64: 64, 16384>}, {transform_indices = @transform_2, window_bounds = array<i64: 64, 16384>}, {transform_indices = @transform_3, window_bounds = array<i64: 64, 16384>}, {pipeline_mode = #tpu.pipeline_mode<synchronous>, transform_indices = @transform_4, window_bounds = array<i64: 64, 64>}, {transform_indices = @transform_5, window_bounds = array<i64: 16384, 128>}]} {
    %get3A = arith.constant 0 : index
    %get3A_0 = arith.constant 0 : index
    %get3A_1 = vector.load %arg5[%get3A, %get3A_0] : memref<64x64xf32, #tpu.memory_space<vmem>>, vector<64x64xf32>
    %get3A_2 = arith.constant 0 : index
    %get3A_3 = arith.constant 0 : index
    %get3A_4 = vector.load %arg1[%get3A_2, %get3A_3] : memref<64x16384xf32, #tpu.memory_space<vmem>>, vector<64x16384xf32>
    %dot_general3A = arith.constant dense<0.000000e+00> : vector<16384x64xf32>
    %dot_general3A_5 = tpu.matmul %get3A_4, %get3A_1, %dot_general3A {dimension_numbers = #tpu.dot_dimension_numbers<[0], [0], [1], [1], [0, 1, 1, 1], [], []>, transpose_lhs_hint = false} : vector<64x16384xf32>, vector<64x64xf32>, vector<16384x64xf32> -> vector<16384x64xf32>
    %get3A_6 = arith.constant 0 : index
    %get3A_7 = arith.constant 0 : index
    %get3A_8 = vector.load %arg3[%get3A_6, %get3A_7] : memref<64x16384xf32, #tpu.memory_space<vmem>>, vector<64x16384xf32>
    %dot_general3A_9 = arith.constant dense<0.000000e+00> : vector<16384x64xf32>
    %dot_general3A_10 = tpu.matmul %get3A_8, %get3A_1, %dot_general3A_9 {dimension_numbers = #tpu.dot_dimension_numbers<[0], [0], [1], [1], [0, 1, 1, 1], [], []>, transpose_lhs_hint = false} : vector<64x16384xf32>, vector<64x64xf32>, vector<16384x64xf32> -> vector<16384x64xf32>
    %bitcast_convert_type3A = tpu.bitcast %dot_general3A_5 : vector<16384x64xf32> -> vector<16384x64xi32>
    %add3A = arith.constant 32768 : i32
    %add3A_11 = vector.broadcast %add3A : i32 to vector<16384x64xi32>
    %add3A_12 = arith.addi %bitcast_convert_type3A, %add3A_11 : vector<16384x64xi32>
    %bitcast_convert_type3A_13 = tpu.bitcast %dot_general3A_10 : vector<16384x64xf32> -> vector<16384x64xi32>
    %add3A_14 = arith.constant 32768 : i32
    %add3A_15 = vector.broadcast %add3A_14 : i32 to vector<16384x64xi32>
    %add3A_16 = arith.addi %bitcast_convert_type3A_13, %add3A_15 : vector<16384x64xi32>
    %and3A = arith.constant -65536 : i32
    %and3A_17 = vector.broadcast %and3A : i32 to vector<16384x64xi32>
    %and3A_18 = arith.andi %add3A_12, %and3A_17 : vector<16384x64xi32>
    %shift_right_logical3A = arith.constant 16 : i32
    %shift_right_logical3A_19 = vector.broadcast %shift_right_logical3A : i32 to vector<16384x64xi32>
    %shift_right_logical3A_20 = arith.shrui %add3A_16, %shift_right_logical3A_19 : vector<16384x64xi32>
    %or3A = arith.ori %and3A_18, %shift_right_logical3A_20 : vector<16384x64xi32>
    %get3A_21 = arith.constant 0 : index
    %get3A_22 = arith.constant 0 : index
    %get3A_23 = vector.load %arg2[%get3A_21, %get3A_22] : memref<64x16384xf32, #tpu.memory_space<vmem>>, vector<64x16384xf32>
    %dot_general3A_24 = arith.constant dense<0.000000e+00> : vector<16384x64xf32>
    %dot_general3A_25 = tpu.matmul %get3A_23, %get3A_1, %dot_general3A_24 {dimension_numbers = #tpu.dot_dimension_numbers<[0], [0], [1], [1], [0, 1, 1, 1], [], []>, transpose_lhs_hint = false} : vector<64x16384xf32>, vector<64x64xf32>, vector<16384x64xf32> -> vector<16384x64xf32>
    %get3A_26 = arith.constant 0 : index
    %get3A_27 = arith.constant 0 : index
    %get3A_28 = vector.load %arg4[%get3A_26, %get3A_27] : memref<64x16384xf32, #tpu.memory_space<vmem>>, vector<64x16384xf32>
    %dot_general3A_29 = arith.constant dense<0.000000e+00> : vector<16384x64xf32>
    %dot_general3A_30 = tpu.matmul %get3A_28, %get3A_1, %dot_general3A_29 {dimension_numbers = #tpu.dot_dimension_numbers<[0], [0], [1], [1], [0, 1, 1, 1], [], []>, transpose_lhs_hint = false} : vector<64x16384xf32>, vector<64x64xf32>, vector<16384x64xf32> -> vector<16384x64xf32>
    %bitcast_convert_type3A_31 = tpu.bitcast %dot_general3A_25 : vector<16384x64xf32> -> vector<16384x64xi32>
    %add3A_32 = arith.constant 32768 : i32
    %add3A_33 = vector.broadcast %add3A_32 : i32 to vector<16384x64xi32>
    %add3A_34 = arith.addi %bitcast_convert_type3A_31, %add3A_33 : vector<16384x64xi32>
    %bitcast_convert_type3A_35 = tpu.bitcast %dot_general3A_30 : vector<16384x64xf32> -> vector<16384x64xi32>
    %add3A_36 = arith.constant 32768 : i32
    %add3A_37 = vector.broadcast %add3A_36 : i32 to vector<16384x64xi32>
    %add3A_38 = arith.addi %bitcast_convert_type3A_35, %add3A_37 : vector<16384x64xi32>
    %and3A_39 = arith.constant -65536 : i32
    %and3A_40 = vector.broadcast %and3A_39 : i32 to vector<16384x64xi32>
    %and3A_41 = arith.andi %add3A_34, %and3A_40 : vector<16384x64xi32>
    %shift_right_logical3A_42 = arith.constant 16 : i32
    %shift_right_logical3A_43 = vector.broadcast %shift_right_logical3A_42 : i32 to vector<16384x64xi32>
    %shift_right_logical3A_44 = arith.shrui %add3A_38, %shift_right_logical3A_43 : vector<16384x64xi32>
    %or3A_45 = arith.ori %and3A_41, %shift_right_logical3A_44 : vector<16384x64xi32>
    %concatenate3A = tpu.concatenate %or3A, %or3A_45 in 1 : vector<16384x64xi32>, vector<16384x64xi32> -> vector<16384x128xi32>
    %swap3A = arith.constant 0 : index
    %swap3A_46 = arith.constant 0 : index
    %swap3A_47 = vector.load %arg6[%swap3A, %swap3A_46] : memref<16384x128xi32, #tpu.memory_space<vmem>>, vector<16384x128xi32>
    tpu.vector_store %arg6[%swap3A, %swap3A_46], %concatenate3A {strides = array<i32>} : memref<16384x128xi32, #tpu.memory_space<vmem>>, vector<16384x128xi32>,
    return
  }
  func.func @transform_0(%arg0: i32) -> (i32, i32) {
    %c0_i32 = arith.constant 0 : i32
    %c0_i32_0 = arith.constant 0 : i32
    return %c0_i32, %arg0 : i32, i32
  }
  func.func @transform_1(%arg0: i32) -> (i32, i32) {
    %add3A = arith.constant 32 : i32
    %add3A_0 = arith.addi %arg0, %add3A : i32
    %min3A = arith.constant 61 : i32
    %min3A_1 = arith.minsi %add3A_0, %min3A : i32
    %c0_i32 = arith.constant 0 : i32
    %c0_i32_2 = arith.constant 0 : i32
    return %c0_i32, %min3A_1 : i32, i32
  }
  func.func @transform_2(%arg0: i32) -> (i32, i32) {
    %c0_i32 = arith.constant 0 : i32
    %c0_i32_0 = arith.constant 0 : i32
    return %c0_i32, %arg0 : i32, i32
  }
  func.func @transform_3(%arg0: i32) -> (i32, i32) {
    %add3A = arith.constant 32 : i32
    %add3A_0 = arith.addi %arg0, %add3A : i32
    %min3A = arith.constant 61 : i32
    %min3A_1 = arith.minsi %add3A_0, %min3A : i32
    %c0_i32 = arith.constant 0 : i32
    %c0_i32_2 = arith.constant 0 : i32
    return %c0_i32, %min3A_1 : i32, i32
  }
  func.func @transform_4(%arg0: i32) -> (i32, i32) {
    %c0_i32 = arith.constant 0 : i32
    %c0_i32_0 = arith.constant 0 : i32
    %c0_i32_1 = arith.constant 0 : i32
    return %c0_i32, %c0_i32_0 : i32, i32
  }
  func.func @transform_5(%arg0: i32) -> (i32, i32) {
    %c0_i32 = arith.constant 0 : i32
    %c0_i32_0 = arith.constant 0 : i32
    return %arg0, %c0_i32 : i32, i32
  }
}

module attributes {stable_mosaic.version = 14 : i64} {
  func.func @_mlp_body(%arg0: i32, %arg1: memref<2048x128xi32, #tpu.memory_space<vmem>>, %arg2: memref<2048x128xi32, #tpu.memory_space<vmem>>, %arg3: memref<2048x1xi32, #tpu.memory_space<vmem>>, %arg4: memref<2048x1xi32, #tpu.memory_space<vmem>>, %arg5: memref<64x64xf32, #tpu.memory_space<vmem>>, %arg6: memref<64x64xf32, #tpu.memory_space<vmem>>, %arg7: memref<1x64xf32, #tpu.memory_space<vmem>>, %arg8: memref<64x64xf32, #tpu.memory_space<vmem>>, %arg9: memref<1x64xf32, #tpu.memory_space<vmem>>, %arg10: memref<1x64xf32, #tpu.memory_space<vmem>>, %arg11: memref<1xf32, #tpu.memory_space<vmem>>, %arg12: memref<2048xf32, #tpu.memory_space<vmem>>) attributes {dimension_semantics = [#tpu.dimension_semantics<arbitrary>], iteration_bounds = array<i64: 8>, scalar_prefetch = 0 : i64, scratch_operands = 0 : i64, tpu.core_type = #tpu.core_type<tc>, window_params = [{transform_indices = @transform_0, window_bounds = array<i64: 2048, 128>}, {transform_indices = @transform_1, window_bounds = array<i64: 2048, 128>}, {transform_indices = @transform_2, window_bounds = array<i64: 2048, 1>}, {transform_indices = @transform_3, window_bounds = array<i64: 2048, 1>}, {pipeline_mode = #tpu.pipeline_mode<synchronous>, transform_indices = @transform_4, window_bounds = array<i64: 64, 64>}, {pipeline_mode = #tpu.pipeline_mode<synchronous>, transform_indices = @transform_5, window_bounds = array<i64: 64, 64>}, {pipeline_mode = #tpu.pipeline_mode<synchronous>, transform_indices = @transform_6, window_bounds = array<i64: 1, 64>}, {pipeline_mode = #tpu.pipeline_mode<synchronous>, transform_indices = @transform_7, window_bounds = array<i64: 64, 64>}, {pipeline_mode = #tpu.pipeline_mode<synchronous>, transform_indices = @transform_8, window_bounds = array<i64: 1, 64>}, {pipeline_mode = #tpu.pipeline_mode<synchronous>, transform_indices = @transform_9, window_bounds = array<i64: 1, 64>}, {pipeline_mode = #tpu.pipeline_mode<synchronous>, transform_indices = @transform_10, window_bounds = array<i64: 1>}, {transform_indices = @transform_11, window_bounds = array<i64: 2048>}]} {
    %get3A = arith.constant 0 : index
    %get3A_0 = arith.constant 0 : index
    %get3A_1 = vector.load %arg3[%get3A, %get3A_0] : memref<2048x1xi32, #tpu.memory_space<vmem>>, vector<2048x1xi32>
    %lt3A = arith.constant 524288 : i32
    %lt3A_2 = vector.broadcast %lt3A : i32 to vector<2048x1xi32>
    %lt3A_3 = arith.cmpi slt, %get3A_1, %lt3A_2 : vector<2048x1xi32>
    %get3A_4 = arith.constant 0 : index
    %get3A_5 = arith.constant 0 : index
    %get3A_6 = vector.load %arg4[%get3A_4, %get3A_5] : memref<2048x1xi32, #tpu.memory_space<vmem>>, vector<2048x1xi32>
    %lt3A_7 = arith.constant 524288 : i32
    %lt3A_8 = vector.broadcast %lt3A_7 : i32 to vector<2048x1xi32>
    %lt3A_9 = arith.cmpi slt, %get3A_6, %lt3A_8 : vector<2048x1xi32>
    %get3A_10 = arith.constant 0 : index
    %get3A_11 = arith.constant 0 : index
    %get3A_12 = vector.load %arg1[%get3A_10, %get3A_11] : memref<2048x128xi32, #tpu.memory_space<vmem>>, vector<2048x128xi32>
    %get3A_13 = arith.constant 0 : index
    %get3A_14 = arith.constant 0 : index
    %get3A_15 = vector.load %arg2[%get3A_13, %get3A_14] : memref<2048x128xi32, #tpu.memory_space<vmem>>, vector<2048x128xi32>
    %slice3A = vector.extract_strided_slice %get3A_12 {offsets = [0, 0], sizes = [2048, 64], strides = [1, 1]} : vector<2048x128xi32> to vector<2048x64xi32>
    %slice3A_16 = vector.extract_strided_slice %get3A_12 {offsets = [0, 64], sizes = [2048, 64], strides = [1, 1]} : vector<2048x128xi32> to vector<2048x64xi32>
    %broadcast_in_dim3A = vector.shape_cast %lt3A_3 : vector<2048x1xi1> to vector<2048x1xi1>
    %broadcast_in_dim3A_17 = vector.broadcast %broadcast_in_dim3A : vector<2048x1xi1> to vector<2048x64xi1>
    %select_n3A = arith.select %broadcast_in_dim3A_17, %slice3A, %slice3A_16 : vector<2048x64xi1>, vector<2048x64xi32>
    %slice3A_18 = vector.extract_strided_slice %get3A_15 {offsets = [0, 0], sizes = [2048, 64], strides = [1, 1]} : vector<2048x128xi32> to vector<2048x64xi32>
    %slice3A_19 = vector.extract_strided_slice %get3A_15 {offsets = [0, 64], sizes = [2048, 64], strides = [1, 1]} : vector<2048x128xi32> to vector<2048x64xi32>
    %broadcast_in_dim3A_20 = vector.shape_cast %lt3A_9 : vector<2048x1xi1> to vector<2048x1xi1>
    %broadcast_in_dim3A_21 = vector.broadcast %broadcast_in_dim3A_20 : vector<2048x1xi1> to vector<2048x64xi1>
    %select_n3A_22 = arith.select %broadcast_in_dim3A_21, %slice3A_18, %slice3A_19 : vector<2048x64xi1>, vector<2048x64xi32>
    %and3A = arith.constant -65536 : i32
    %and3A_23 = vector.broadcast %and3A : i32 to vector<2048x64xi32>
    %and3A_24 = arith.andi %select_n3A, %and3A_23 : vector<2048x64xi32>
    %bitcast_convert_type3A = tpu.bitcast %and3A_24 : vector<2048x64xi32> -> vector<2048x64xf32>
    %shift_left3A = arith.constant 16 : i32
    %shift_left3A_25 = vector.broadcast %shift_left3A : i32 to vector<2048x64xi32>
    %shift_left3A_26 = arith.shli %select_n3A_22, %shift_left3A_25 : vector<2048x64xi32>
    %bitcast_convert_type3A_27 = tpu.bitcast %shift_left3A_26 : vector<2048x64xi32> -> vector<2048x64xf32>
    %get3A_28 = arith.constant 0 : index
    %get3A_29 = arith.constant 0 : index
    %get3A_30 = vector.load %arg5[%get3A_28, %get3A_29] : memref<64x64xf32, #tpu.memory_space<vmem>>, vector<64x64xf32>
    %dot_general3A = arith.constant dense<0.000000e+00> : vector<2048x64xf32>
    %dot_general3A_31 = tpu.matmul %bitcast_convert_type3A, %get3A_30, %dot_general3A {dimension_numbers = #tpu.dot_dimension_numbers<[1], [0], [0], [1], [0, 0, 1, 1], [], []>, transpose_lhs_hint = false} : vector<2048x64xf32>, vector<64x64xf32>, vector<2048x64xf32> -> vector<2048x64xf32>
    %get3A_32 = arith.constant 0 : index
    %get3A_33 = arith.constant 0 : index
    %get3A_34 = vector.load %arg6[%get3A_32, %get3A_33] : memref<64x64xf32, #tpu.memory_space<vmem>>, vector<64x64xf32>
    %dot_general3A_35 = arith.constant dense<0.000000e+00> : vector<2048x64xf32>
    %dot_general3A_36 = tpu.matmul %bitcast_convert_type3A_27, %get3A_34, %dot_general3A_35 {dimension_numbers = #tpu.dot_dimension_numbers<[1], [0], [0], [1], [0, 0, 1, 1], [], []>, transpose_lhs_hint = false} : vector<2048x64xf32>, vector<64x64xf32>, vector<2048x64xf32> -> vector<2048x64xf32>
    %add3A = arith.addf %dot_general3A_31, %dot_general3A_36 : vector<2048x64xf32>
    %get3A_37 = arith.constant 0 : index
    %get3A_38 = arith.constant 0 : index
    %get3A_39 = vector.load %arg7[%get3A_37, %get3A_38] : memref<1x64xf32, #tpu.memory_space<vmem>>, vector<1x64xf32>
    %add3A_40 = vector.broadcast %get3A_39 : vector<1x64xf32> to vector<2048x64xf32>
    %add3A_41 = arith.addf %add3A, %add3A_40 : vector<2048x64xf32>
    %max3A = arith.constant 0.000000e+00 : f32
    %max3A_42 = vector.broadcast %max3A : f32 to vector<2048x64xf32>
    %max3A_43 = arith.maximumf %add3A_41, %max3A_42 : vector<2048x64xf32>
    %get3A_44 = arith.constant 0 : index
    %get3A_45 = arith.constant 0 : index
    %get3A_46 = vector.load %arg8[%get3A_44, %get3A_45] : memref<64x64xf32, #tpu.memory_space<vmem>>, vector<64x64xf32>
    %dot_general3A_47 = arith.constant dense<0.000000e+00> : vector<2048x64xf32>
    %dot_general3A_48 = tpu.matmul %max3A_43, %get3A_46, %dot_general3A_47 {dimension_numbers = #tpu.dot_dimension_numbers<[1], [0], [0], [1], [0, 0, 1, 1], [], []>, transpose_lhs_hint = false} : vector<2048x64xf32>, vector<64x64xf32>, vector<2048x64xf32> -> vector<2048x64xf32>
    %get3A_49 = arith.constant 0 : index
    %get3A_50 = arith.constant 0 : index
    %get3A_51 = vector.load %arg9[%get3A_49, %get3A_50] : memref<1x64xf32, #tpu.memory_space<vmem>>, vector<1x64xf32>
    %add3A_52 = vector.broadcast %get3A_51 : vector<1x64xf32> to vector<2048x64xf32>
    %add3A_53 = arith.addf %dot_general3A_48, %add3A_52 : vector<2048x64xf32>
    %max3A_54 = arith.constant 0.000000e+00 : f32
    %max3A_55 = vector.broadcast %max3A_54 : f32 to vector<2048x64xf32>
    %max3A_56 = arith.maximumf %add3A_53, %max3A_55 : vector<2048x64xf32>
    %get3A_57 = arith.constant 0 : index
    %get3A_58 = arith.constant 0 : index
    %get3A_59 = vector.load %arg10[%get3A_57, %get3A_58] : memref<1x64xf32, #tpu.memory_space<vmem>>, vector<1x64xf32>
    %mul3A = vector.broadcast %get3A_59 : vector<1x64xf32> to vector<2048x64xf32>
    %mul3A_60 = arith.mulf %max3A_56, %mul3A : vector<2048x64xf32>
    %reduce_sum3A = arith.constant dense<0.000000e+00> : vector<2048xf32>
    %reduce_sum3A_61 = vector.multi_reduction <add>, %mul3A_60, %reduce_sum3A [1] : vector<2048x64xf32> to vector<2048xf32>
    %get3A_62 = arith.constant 0 : index
    %get3A_63 = vector.load %arg11[%get3A_62] : memref<1xf32, #tpu.memory_space<vmem>>, vector<1xf32>
    %get3A_64 = vector.extract %get3A_63[0] : f32 from vector<1xf32>
    %add3A_65 = vector.broadcast %get3A_64 : f32 to vector<2048xf32>
    %add3A_66 = arith.addf %reduce_sum3A_61, %add3A_65 : vector<2048xf32>
    %swap3A = arith.constant 0 : index
    %swap3A_67 = vector.load %arg12[%swap3A] : memref<2048xf32, #tpu.memory_space<vmem>>, vector<2048xf32>
    tpu.vector_store %arg12[%swap3A], %add3A_66 {strides = array<i32>} : memref<2048xf32, #tpu.memory_space<vmem>>, vector<2048xf32>,
    return
  }
  func.func @transform_0(%arg0: i32) -> (i32, i32) {
    %c0_i32 = arith.constant 0 : i32
    %c0_i32_0 = arith.constant 0 : i32
    return %arg0, %c0_i32 : i32, i32
  }
  func.func @transform_1(%arg0: i32) -> (i32, i32) {
    %c0_i32 = arith.constant 0 : i32
    %c0_i32_0 = arith.constant 0 : i32
    return %arg0, %c0_i32 : i32, i32
  }
  func.func @transform_2(%arg0: i32) -> (i32, i32) {
    %c0_i32 = arith.constant 0 : i32
    %c0_i32_0 = arith.constant 0 : i32
    return %arg0, %c0_i32 : i32, i32
  }
  func.func @transform_3(%arg0: i32) -> (i32, i32) {
    %c0_i32 = arith.constant 0 : i32
    %c0_i32_0 = arith.constant 0 : i32
    return %arg0, %c0_i32 : i32, i32
  }
  func.func @transform_4(%arg0: i32) -> (i32, i32) {
    %c0_i32 = arith.constant 0 : i32
    %c0_i32_0 = arith.constant 0 : i32
    %c0_i32_1 = arith.constant 0 : i32
    return %c0_i32, %c0_i32_0 : i32, i32
  }
  func.func @transform_5(%arg0: i32) -> (i32, i32) {
    %c0_i32 = arith.constant 0 : i32
    %c0_i32_0 = arith.constant 0 : i32
    %c0_i32_1 = arith.constant 0 : i32
    return %c0_i32, %c0_i32_0 : i32, i32
  }
  func.func @transform_6(%arg0: i32) -> (i32, i32) {
    %c0_i32 = arith.constant 0 : i32
    %c0_i32_0 = arith.constant 0 : i32
    %c0_i32_1 = arith.constant 0 : i32
    return %c0_i32, %c0_i32_0 : i32, i32
  }
  func.func @transform_7(%arg0: i32) -> (i32, i32) {
    %c0_i32 = arith.constant 0 : i32
    %c0_i32_0 = arith.constant 0 : i32
    %c0_i32_1 = arith.constant 0 : i32
    return %c0_i32, %c0_i32_0 : i32, i32
  }
  func.func @transform_8(%arg0: i32) -> (i32, i32) {
    %c0_i32 = arith.constant 0 : i32
    %c0_i32_0 = arith.constant 0 : i32
    %c0_i32_1 = arith.constant 0 : i32
    return %c0_i32, %c0_i32_0 : i32, i32
  }
  func.func @transform_9(%arg0: i32) -> (i32, i32) {
    %c0_i32 = arith.constant 0 : i32
    %c0_i32_0 = arith.constant 0 : i32
    %c0_i32_1 = arith.constant 0 : i32
    return %c0_i32, %c0_i32_0 : i32, i32
  }
  func.func @transform_10(%arg0: i32) -> i32 {
    %c0_i32 = arith.constant 0 : i32
    %c0_i32_0 = arith.constant 0 : i32
    return %c0_i32 : i32
  }
  func.func @transform_11(%arg0: i32) -> i32 {
    %c0_i32 = arith.constant 0 : i32
    return %arg0 : i32
  }
}

</mosaic_0001>

<sc_bundles>
// kernel: kernel.5.cloned.1.call-start
scs
__scs_entry_jumppad:
0x0: {  	(pc) =	sbr.rel $0x88, $3  }
0x1: {  	(tag) =	ssettag $0x0;
	lr =	simm.s32 $0x1  }
0x2: {  	[smem:$0x3F98] =	sst lr;
	_ =	strace $0xD0000000  }
0x3: {  	_ = 	snop  }
0x4: {  	_ = 	snop  }
0x5: {  	_ = 	snop  }
0x6: {  	_ = 	snop  }
0x7: {  	_ = 	snop  }
__scs_overlays_trampoline_lowered:
0x8: {  	[smem:$0x3FA7] =	sst s0  }
0x9: {  	[smem:$0x3FA8] =	sst s1  }
0xa: {  	[smem:$0x3FA9] =	sst s2  }
0xb: {  	[smem:$0x3FAA] =	sst s3  }
0xc: {  	[smem:$0x3FAB] =	sst s4  }
0xd: {  	[smem:$0x3FAC] =	sst s5  }
0xe: {  	[smem:$0x3FAD] =	sst s6  }
0xf: {  	[smem:$0x3FAE] =	sst s7  }
0x10: {  	[smem:$0x3FAF] =	sst s8  }
0x11: {  	[smem:$0x3FB0] =	sst s9;
	s0 =	simm.s32 @!p0 $0x0  }
0x12: {  	s1 =	sld [smem:$0x3F96];
	s0 =	simm.s32 @p0 $0x1  }
0x13: {  	[smem:$0x3FB1] =	sst s0;
	s0 =	simm.s32 @!p1 $0x0  }
0x14: {  	s2 =	sld [smem:$0x3F95];
	s0 =	simm.s32 @p1 $0x1  }
0x15: {  	[smem:$0x3FB2] =	sst s0;
	s0 =	simm.s32 @!p2 $0x0  }
0x16: {  	s3 =	sld [smem:$0x3FDB];
	s0 =	simm.s32 @p2 $0x1  }
0x17: {  	s4 =	simm.s32 $0x1BF5;
	[smem:$0x3FB4] =	sst s0  }
0x18: {  	s0 =	sld [smem:$0x3F97];
	_ =	swait.ge [sflag:s4], $0x0  }
0x19: {  	s7 =	sld [smem:$0x3F98]  }
0x1a: {  	s8 =	sadd.s32 $0xFFFFE003, lr  }
0x1b: {  	s9 =	sadd.s32 $0xFFFFFEF7, lr;
	s5 =	simm.s32 $0xFFFFFFFF;
	p2 =	slt.u32 s8, $0xFFFFF086  }
0x1c: {  	p1 =	slt.u32 s9, $0xF7A;
	s5 =	simm.s32 @!p2 $0x0  }
0x1d: {  	s5 =	simm.s32 @p1 $0x1;
	p0 =	seq.s32 s7, s2  }
0x1e: {  	s7 =	smul.u32 @!p0 $0xF7A, s2;
	p2 =	seq.s32 @!p0 s5, $0x0  }
0x1f: {  	s9 =	smul.u32 $0xF7A, s1;
	s8 =	simm.s32 @!p0 $0x1BF5;
	p2 =	por !p2, p0  }
0x20: {  	[sflag:s8] =	ssyncset.s32 @!p0 $0xFFFFF086;
	s6 =	sadd.s32 @!p0 s3, s7;
	s7 =	simm.s32 @!p0 $0x108  }
0x21: {  	s3 =	sadd.s32 s3, s9;
	s6 =	sadd.s32 @!p0 $0x88, s6;
	s7 =	simm.s32 @p2 $0x1082  }
0x22: {  	[simem:s7], [sflag:s8] =	dma.local @!p0 [hbm:s6], $0xF7A  }
0x23: {  	s9 =	sor.u32 $0xD0000000, s2;
	s6 =	simm.s32 $0x108;
	_ =	swait.ge @!p0 [sflag:s8], $0x0  }
0x24: {  	s3 =	sadd.s32 $0x88, s3;
	s6 =	simm.s32 @!p1 $0x1082;
	[sflag:s4] =	ssyncset.s32 $0xFFFFF086  }
0x25: {  	[simem:s6], [sflag:s4] =	dma.local [hbm:s3], $0xF7A  }
0x26: {  	[smem:$0x3F98] =	sst s1;
	(tag) =	ssettag s2;
	_ =	strace s9  }
0x27: {  	s1 =	sld [smem:$0x3FA8]  }
0x28: {  	s2 =	sld [smem:$0x3FA9]  }
0x29: {  	s4 =	sld [smem:$0x3FAB]  }
0x2a: {  	p0 =	seq.s32 s5, $0x0;
	s5 =	sld [smem:$0x3FAC]  }
0x2b: {  	s6 =	sld [smem:$0x3FAD]  }
0x2c: {  	s7 =	sld [smem:$0x3FAE]  }
0x2d: {  	s3 =	simm.s32 $0x108;
	s8 =	sld [smem:$0x3FAF]  }
0x2e: {  	s3 =	simm.s32 @!p0 $0x1082;
	s9 =	sld [smem:$0x3FB0]  }
0x2f: {  	lr =	sadd.s32 s0, s3;
	s0 =	sld [smem:$0x3FA7]  }
0x30: {  	s3 =	sld [smem:$0x3FAA]  }
0x31: {  	[smem:$0x3FB3] =	sst s10  }
0x32: {  	s10 =	sld [smem:$0x3FB1];
	_ =	sdelay $0x3  }
0x33: {  	p0 =	seq.s32 s10, $0x1;
	s10 =	sld [smem:$0x3FB3];
	_ =	sdelay $0x3  }
0x34: {  	[smem:$0x3FB3] =	sst s10  }
0x35: {  	s10 =	sld [smem:$0x3FB2];
	_ =	sdelay $0x3  }
0x36: {  	p1 =	seq.s32 s10, $0x1;
	s10 =	sld [smem:$0x3FB3];
	_ =	sdelay $0x3  }
0x37: {  	[smem:$0x3FB3] =	sst s10  }
0x38: {  	s10 =	sld [smem:$0x3FB4]  }
0x39: {  	_ = 	snop;
	(pc) =	sbr.ind lr, $3  }
0x3a: {  	_ = 	snop  }
0x3b: {  	_ = 	snop  }
0x3c: {  	p2 =	seq.s32 s10, $0x1;
	s10 =	sld [smem:$0x3FB3]  }
0x3d: {  	_ =	shalt  }
0x3e: {  	_ =	shalt  }
0x3f: {  	_ =	shalt  }
0x40: {  	_ =	shalt  }
0x41: {  	_ =	shalt  }
0x42: {  	_ =	shalt  }
0x43: {  	_ =	shalt  }
0x44: {  	_ =	shalt  }
0x45: {  	_ =	shalt  }
0x46: {  	_ =	shalt  }
0x47: {  	_ =	shalt  }
0x48: {  	_ =	shalt  }
0x49: {  	_ =	shalt  }
0x4a: {  	_ =	shalt  }
0x4b: {  	_ =	shalt  }
0x4c: {  	_ =	shalt  }
0x4d: {  	_ =	shalt  }
0x4e: {  	_ =	shalt  }
0x4f: {  	_ =	shalt  }
0x50: {  	_ =	shalt  }
0x51: {  	_ =	shalt  }
0x52: {  	_ =	shalt  }
0x53: {  	_ =	shalt  }
0x54: {  	_ =	shalt  }
0x55: {  	_ =	shalt  }
0x56: {  	_ =	shalt  }
0x57: {  	_ =	shalt  }
0x58: {  	_ =	shalt  }
0x59: {  	_ =	shalt  }
0x5a: {  	_ =	shalt  }
0x5b: {  	_ =	shalt  }
0x5c: {  	_ =	shalt  }
0x5d: {  	_ =	shalt  }
0x5e: {  	_ =	shalt  }
0x5f: {  	_ =	shalt  }
0x60: {  	_ =	shalt  }
0x61: {  	_ =	shalt  }
0x62: {  	_ =	shalt  }
0x63: {  	_ =	shalt  }
0x64: {  	_ =	shalt  }
0x65: {  	_ =	shalt  }
0x66: {  	_ =	shalt  }
0x67: {  	_ =	shalt  }
0x68: {  	_ =	shalt  }
0x69: {  	_ =	shalt  }
0x6a: {  	_ =	shalt  }
0x6b: {  	_ =	shalt  }
0x6c: {  	_ =	shalt  }
0x6d: {  	_ =	shalt  }
0x6e: {  	_ =	shalt  }
0x6f: {  	_ =	shalt  }
0x70: {  	_ =	shalt  }
0x71: {  	_ =	shalt  }
0x72: {  	_ =	shalt  }
0x73: {  	_ =	shalt  }
0x74: {  	_ =	shalt  }
0x75: {  	_ =	shalt  }
0x76: {  	_ =	shalt  }
0x77: {  	_ =	shalt  }
0x78: {  	_ =	shalt  }
0x79: {  	_ =	shalt  }
0x7a: {  	_ =	shalt  }
0x7b: {  	_ =	shalt  }
0x7c: {  	_ =	shalt  }
0x7d: {  	_ =	shalt  }
0x7e: {  	_ =	shalt  }
0x7f: {  	_ =	shalt  }
0x80: {  	_ =	shalt  }
0x81: {  	_ =	shalt  }
0x82: {  	_ =	shalt  }
0x83: {  	_ =	shalt  }
0x84: {  	_ =	shalt  }
0x85: {  	_ =	shalt  }
0x86: {  	_ =	shalt  }
0x87: {  	_ =	shalt  }
.Lfunc_end0:
.L_simem_size_0:
called_computation_lowered:
.L_overlay_start_0:
0x88: {  	s2 =	sld [smem:$0x3FD9]  }
0x89: {  	s3 =	sld [smem:$0x3FFE];
	_ =	sdelay $0x1  }
0x8a: {  	s1 =	srdreg.scid  }
0x8b: {  	s0 =	sand.u32 $0x1, s1  }
0x8c: {  	s17 =	sshll.u32 s0, $0xA;
	s2 =	sadd.s32 s3, s2  }
0x8d: {  	s2 =	sadd.s32 s2, s17  }
0x8e: {  	[smem:$0x3FBF] =	sst s2  }
0x8f: {  	_ = 	snop  }
0x90: {  	s2 =	sld [smem:$0x3FD0];
	(tm) =	ssettm $0x1  }
0x91: {  	s18 =	sld [smem:$0x3FFB];
	_ =	sdelay $0x3  }
0x92: {  	_ =	strace s18  }
0x93: {  	s3 =	sld [smem:$0x3FFC];
	_ =	sdelay $0x3  }
0x94: {  	_ =	strace s3  }
0x95: {  	s3 =	sld [smem:$0x3FFD];
	_ =	sdelay $0x3  }
0x96: {  	_ =	strace s3  }
0x97: {  	_ =	strace $0x8FFFFFFF  }
0x98: {  	s19 =	sld [smem:$0x3FDB];
	_ =	sdelay $0x1  }
0x99: {  	s4 =	simm.s32 $_scs_section_size  }
0x9a: {  	s5 =	simm.s32 $_size__tile_overlayer_lowered;
	s6 =	simm.s32 $_tile_overlayer_lowered  }
0x9b: {  	s22 =	simm.s32 $0x1BFF;
	s21 =	sshll.u32 s6, $0x1;
	s3 =	sadd.s32 s4, s19  }
0x9c: {  	s7 =	simm.s32 $0x0;
	s20 =	sshll.u32 s5, $0x1;
	s5 =	sadd.s32 s21, s3  }
0x9d: {  	[timem:s7], [sflag:s22] =	dma.local [hbm:s5], s20  }
0x9e: {  	_ =	swait.ge [sflag:s22], s20  }
0x9f: {  	s4 =	ssub.s32 $0x0, s20;
	[sflag:s22] =	ssyncset.done $0x0  }
0xa0: {  	[sflag:s22] =	ssyncadd.s32 s4;
	_ =	sdelay $0x1  }
0xa1: {  	s23 =	simm.s32 $0x1B8B  }
0xa2: {  	_ =	swait.ge [sflag:s23], $0x1  }
0xa3: {  	[sflag:s23] =	ssyncset.done $0x0  }
0xa4: {  	s25 =	simm.s32 $0x1B8E;
	s24 =	sld [smem:$0x3FFE];
	[sflag:s23] =	ssyncadd.s32 $0xFFFFFFFF  }
0xa5: {  	s26 =	simm.s32 $execute0_lowered;
	[smem:$0x3FD2] =	sst s25  }
0xa6: {  	s5 =	sshll.u32 s26, $0x1;
	_ =	strace $0x80000046;
	[dreg:$0x1] =	wrdreg $0xFFFFFFFF  }
0xa7: {  	s28 =	simm.s32 $_size_execute0_lowered;
	s3 =	sadd.s32 s3, s5;
	[dreg:$0x0] =	wrdreg $0x0  }
0xa8: {  	s5 =	sshll.u32 s28, $0x1;
	[dreg:$0x2] =	wrdreg s3  }
0xa9: {  	[dreg:$0x3] =	wrdreg s5  }
0xaa: {  	[dreg:$0x4] =	wrdreg $0xC0  }
0xab: {  	_ =	task [dreg:s7], $0x5FFFF  }
0xac: {  	[dreg:$0x1] =	wrdreg $0xFFFFFFFF  }
0xad: {  	[dreg:$0x0] =	wrdreg $0x60  }
0xae: {  	[dreg:$0x2] =	wrdreg s24  }
0xaf: {  	[dreg:$0x3] =	wrdreg s2  }
0xb0: {  	[dreg:$0x4] =	wrdreg $0x9  }
0xb1: {  	_ =	task.clear_ibuf [dreg:s7], $0x5FFFF;
	_ =	strace $0x90000046  }
0xb2: {  	s29 =	simm.s32 $0x9;
	_ =	strace $0x80000048  }
0xb3: {  	_ =	swait.ge [sflag:s29], $0x1  }
0xb4: {  	[sflag:s29] =	ssyncadd.s32 $0xFFFFFFFF  }
0xb5: {  	_ =	strace $0x90000048  }
0xb6: {  	_ =	sfence  }
0xb7: {  	s30 =	sld [smem:$0x0];
	_ =	sdelay $0x2  }
0xb8: {  	s31 =	sshll.u32 s1, $0xD;
	s1 =	sshrl.u32 s1, $0x2  }
0xb9: {  	s3 =	sand.u32 $0x4000, s31;
	s1 =	sadd.s32 s1, s30  }
0xba: {  	s0 =	sor.u32 s3, s0;
	s1 =	sshll.u32 s1, $0x11  }
0xbb: {  	s0 =	sor.u32 s1, s0  }
0xbc: {  	s0 =	sadd.s32 $0x8F2B, s0  }
0xbd: {  	[sflag:s0] =	ssyncadd.remote.s32 $0x1  }
0xbe: {  	_ =	sfence.sel $0xFFFF  }
0xbf: {  	[dreg:$0x0] =	wrdreg $0xFFFFFFFF;
	(pc) =	sbr.abs _section_cstart, $3  }
0xc0: {  	[dreg:$0x1] =	wrdreg $0xFFFFFFFF  }
0xc1: {  	_ =	task.clear_ibuf [dreg:s7], $0x2FFFF;
	_ =	strace $0x9FFFFFFF  }
0xc2: {  	(tm) =	ssettm $0x7FFFFFFF  }
0xc3: {  	_ =	shalt  }
tec
execute0_lowered:
.L_overlay_start_1:
0x0: {  	(tag) =	ssettag $0x1  }
0x1: {  	s1 =	srdreg.scid;
	s0 =	stileid.u32  }
0x2: {  	s16 =	rddreg [dreg:$0x0];
	s20 =	sand.u32 $0x1, s1;
	s30 =	sshll.u32 s0, $0x1  }
0x3: {  	s5 =	rddreg [dreg:$0x1];
	s17 =	sor.u32 s20, s30  }
0x4: {  	s2 =	simm.s32 $0x0;
	s1 =	rddreg [dreg:$0x2];
	s6 =	sshll.u32 s17, $0x6  }
0x5: {  	[smem:$0x7FF] =	sst s2;
	s3 =	sadd.s32 s6, s16  }
0x6: {  	_ =	strace $0x80000047;
	s4 =	sadd.s32 $0x2200, s3;
	s3 =	simm.s32 $0x2  }
0x7: {  	[tilespmem:s2], [sflag:$0x2] =	stream.linear.gather [hbm4b:s4+s2], $0x200, $0x38;
	[tilespmem:$0x10400] =	vst v63  }
0x8: {  	_ =	swait.ge [sflag:s3], $0x200  }
0x9: {  	[sflag:s3] =	ssyncset.done $0x0  }
0xa: {  	s5 =	sadd.s32 s5, s6;
	s6 =	simm.s32 $0x200;
	[sflag:s3] =	ssyncadd.s32 $0xFFFFFE00  }
0xb: {  	[tilespmem:s6], [sflag:$0x2] =	stream.linear.gather [hbm4b:s5+s2], $0x200, $0x38;
	[tilespmem:$0x10400] =	vst v63  }
0xc: {  	_ =	swait.ge [sflag:s3], $0x200  }
0xd: {  	s8 =	simm.s32 $0x80;
	[sflag:s3] =	ssyncset.done $0x0  }
0xe: {  	s9 =	simm.s32 $0x400;
	s7 =	sadd.s32 $0x2A00, s16;
	[sflag:s3] =	ssyncadd.s32 $0xFFFFFE00  }
0xf: {  	[tilespmem:s9], [sflag:$0x1] =	stream.indirect.gather [hbm4b:s7+s8], $0x80, s2, s8, $0xb8;
	[tilespmem:$0x10400] =	vst v63  }
0x10: {  	s10 =	simm.s32 $0x4400  }
0x11: {  	[tilespmem:s10], [sflag:$0x1] =	stream.indirect.gather [hbm4b:s7+s8], $0x80, s8, s8, $0xb8;
	[tilespmem:$0x10400] =	vst v63  }
0x12: {  	s11 =	simm.s32 $0x100;
	s12 =	simm.s32 $0x8400  }
0x13: {  	[tilespmem:s12], [sflag:$0x1] =	stream.indirect.gather [hbm4b:s7+s8], $0x80, s11, s8, $0xb8;
	[tilespmem:$0x10400] =	vst v63  }
0x14: {  	s13 =	simm.s32 $0x180;
	s14 =	simm.s32 $0xC400;
	s15 =	simm.s32 $0x1  }
0x15: {  	[tilespmem:s14], [sflag:$0x1] =	stream.indirect.gather [hbm4b:s7+s8], $0x80, s13, s8, $0xb8;
	[tilespmem:$0x10400] =	vst v63  }
0x16: {  	_ =	swait.ge [sflag:s15], $0x4000  }
0x17: {  	[sflag:s15] =	ssyncset.done $0x0  }
0x18: {  	[sflag:s15] =	ssyncadd.s32 $0xFFFFC000  }
0x19: {  	_ =	swait.ge [sflag:s15], $0x4000  }
0x1a: {  	[sflag:s15] =	ssyncset.done $0x0  }
0x1b: {  	[sflag:s15] =	ssyncadd.s32 $0xFFFFC000  }
0x1c: {  	_ =	swait.ge [sflag:s15], $0x4000  }
0x1d: {  	[sflag:s15] =	ssyncset.done $0x0  }
0x1e: {  	[sflag:s15] =	ssyncadd.s32 $0xFFFFC000  }
0x1f: {  	s17 =	sshll.u32 s17, $0xD;
	_ =	swait.ge [sflag:s15], $0x4000  }
0x20: {  	s21 =	sadd.s32 s17, s16;
	[sflag:s15] =	ssyncset.done $0x0  }
0x21: {  	s16 =	sadd.s32 $0x802A00, s21;
	[sflag:s15] =	ssyncadd.s32 $0xFFFFC000  }
0x22: {  	[hbm4b:s16+s2] =	stream.linear.scatter [tilespmem:s9], [sflag:$0x2], $0x10000, $0x38;
	[tilespmem:$0x10400] =	vst v63  }
0x23: {  	_ =	swait.ge [sflag:s3], $0x10000  }
0x24: {  	[sflag:s3] =	ssyncset.done $0x0  }
0x25: {  	[sflag:s3] =	ssyncadd.s32 $0xFFFF0000  }
0x26: {  	[tilespmem:s9], [sflag:$0x1] =	stream.indirect.gather [hbm4b:s7+s8], $0x80, s6, s8, $0xb8;
	[tilespmem:$0x10400] =	vst v63  }
0x27: {  	s17 =	simm.s32 $0x280  }
0x28: {  	[tilespmem:s10], [sflag:$0x1] =	stream.indirect.gather [hbm4b:s7+s8], $0x80, s17, s8, $0xb8;
	[tilespmem:$0x10400] =	vst v63  }
0x29: {  	s18 =	simm.s32 $0x300  }
0x2a: {  	[tilespmem:s12], [sflag:$0x1] =	stream.indirect.gather [hbm4b:s7+s8], $0x80, s18, s8, $0xb8;
	[tilespmem:$0x10400] =	vst v63  }
0x2b: {  	s19 =	simm.s32 $0x380  }
0x2c: {  	[tilespmem:s14], [sflag:$0x1] =	stream.indirect.gather [hbm4b:s7+s8], $0x80, s19, s8, $0xb8;
	[tilespmem:$0x10400] =	vst v63  }
0x2d: {  	_ =	swait.ge [sflag:s15], $0x4000  }
0x2e: {  	[sflag:s15] =	ssyncset.done $0x0  }
0x2f: {  	[sflag:s15] =	ssyncadd.s32 $0xFFFFC000  }
0x30: {  	_ =	swait.ge [sflag:s15], $0x4000  }
0x31: {  	[sflag:s15] =	ssyncset.done $0x0  }
0x32: {  	s20 =	ssub.s32 $0x2, s20;
	[sflag:s15] =	ssyncadd.s32 $0xFFFFC000  }
0x33: {  	s22 =	sshrl.u32 s20, $0x1;
	_ =	swait.ge [sflag:s15], $0x4000  }
0x34: {  	s22 =	ssub.s32 s20, s22;
	[sflag:s15] =	ssyncset.done $0x0  }
0x35: {  	s31 =	smax.u32 s22, $0x1;
	[sflag:s15] =	ssyncadd.s32 $0xFFFFC000  }
0x36: {  	p0 =	sne.s32 s31, $0x1;
	_ =	swait.ge [sflag:s15], $0x4000  }
.Ltmp0:
0x37: {  	[sflag:s15] =	ssyncset.done $0x0;
	(pc) =	sbr.rel @!p0 .LBB2_2-.Ltmp0, $4  }
0x38: {  	s20 =	sadd.s32 $0x842A00, s21;
	[sflag:s15] =	ssyncadd.s32 $0xFFFFC000  }
0x39: {  	[hbm4b:s20+s2] =	stream.linear.scatter [tilespmem:s9], [sflag:$0x2], $0x10000, $0x38;
	[tilespmem:$0x10400] =	vst v63  }
0x3a: {  	_ =	swait.ge [sflag:s3], $0x10000  }
0x3b: {  	s21 =	sadd.s32 $0xFFFFFFFF, s31;
	[sflag:s3] =	ssyncset.done $0x0  }
.LBB2_1:
0x3c: {  	p0 =	sne.s32 s21, $0x1;
	s21 =	sadd.s32 $0xFFFFFFFF, s21;
	[sflag:s3] =	ssyncadd.s32 $0xFFFF0000  }
0x3d: {  	[tilespmem:s2], [sflag:$0x2] =	stream.linear.gather [hbm4b:s4+s2], $0x200, $0x38;
	[tilespmem:$0x10400] =	vst v63  }
0x3e: {  	_ =	swait.ge [sflag:s3], $0x200  }
0x3f: {  	[sflag:s3] =	ssyncset.done $0x0  }
0x40: {  	[sflag:s3] =	ssyncadd.s32 $0xFFFFFE00  }
0x41: {  	[tilespmem:s6], [sflag:$0x2] =	stream.linear.gather [hbm4b:s5+s2], $0x200, $0x38;
	[tilespmem:$0x10400] =	vst v63  }
0x42: {  	_ =	swait.ge [sflag:s3], $0x200  }
0x43: {  	[sflag:s3] =	ssyncset.done $0x0  }
0x44: {  	[sflag:s3] =	ssyncadd.s32 $0xFFFFFE00  }
0x45: {  	[tilespmem:s9], [sflag:$0x1] =	stream.indirect.gather [hbm4b:s7+s8], $0x80, s2, s8, $0xb8;
	[tilespmem:$0x10400] =	vst v63  }
0x46: {  	_ = 	snop  }
0x47: {  	[tilespmem:s10], [sflag:$0x1] =	stream.indirect.gather [hbm4b:s7+s8], $0x80, s8, s8, $0xb8;
	[tilespmem:$0x10400] =	vst v63  }
0x48: {  	_ = 	snop  }
0x49: {  	[tilespmem:s12], [sflag:$0x1] =	stream.indirect.gather [hbm4b:s7+s8], $0x80, s11, s8, $0xb8;
	[tilespmem:$0x10400] =	vst v63  }
0x4a: {  	_ = 	snop  }
0x4b: {  	[tilespmem:s14], [sflag:$0x1] =	stream.indirect.gather [hbm4b:s7+s8], $0x80, s13, s8, $0xb8;
	[tilespmem:$0x10400] =	vst v63  }
0x4c: {  	_ =	swait.ge [sflag:s15], $0x4000  }
0x4d: {  	[sflag:s15] =	ssyncset.done $0x0  }
0x4e: {  	[sflag:s15] =	ssyncadd.s32 $0xFFFFC000  }
0x4f: {  	_ =	swait.ge [sflag:s15], $0x4000  }
0x50: {  	[sflag:s15] =	ssyncset.done $0x0  }
0x51: {  	[sflag:s15] =	ssyncadd.s32 $0xFFFFC000  }
0x52: {  	_ =	swait.ge [sflag:s15], $0x4000  }
0x53: {  	[sflag:s15] =	ssyncset.done $0x0  }
0x54: {  	[sflag:s15] =	ssyncadd.s32 $0xFFFFC000  }
0x55: {  	_ =	swait.ge [sflag:s15], $0x4000  }
0x56: {  	[sflag:s15] =	ssyncset.done $0x0  }
0x57: {  	[sflag:s15] =	ssyncadd.s32 $0xFFFFC000  }
0x58: {  	[hbm4b:s16+s2] =	stream.linear.scatter [tilespmem:s9], [sflag:$0x2], $0x10000, $0x38;
	[tilespmem:$0x10400] =	vst v63  }
0x59: {  	_ =	swait.ge [sflag:s3], $0x10000  }
0x5a: {  	[sflag:s3] =	ssyncset.done $0x0  }
0x5b: {  	[sflag:s3] =	ssyncadd.s32 $0xFFFF0000  }
0x5c: {  	[tilespmem:s9], [sflag:$0x1] =	stream.indirect.gather [hbm4b:s7+s8], $0x80, s6, s8, $0xb8;
	[tilespmem:$0x10400] =	vst v63  }
0x5d: {  	_ = 	snop  }
0x5e: {  	[tilespmem:s10], [sflag:$0x1] =	stream.indirect.gather [hbm4b:s7+s8], $0x80, s17, s8, $0xb8;
	[tilespmem:$0x10400] =	vst v63  }
0x5f: {  	_ = 	snop  }
0x60: {  	[tilespmem:s12], [sflag:$0x1] =	stream.indirect.gather [hbm4b:s7+s8], $0x80, s18, s8, $0xb8;
	[tilespmem:$0x10400] =	vst v63  }
0x61: {  	_ = 	snop  }
0x62: {  	[tilespmem:s14], [sflag:$0x1] =	stream.indirect.gather [hbm4b:s7+s8], $0x80, s19, s8, $0xb8;
	[tilespmem:$0x10400] =	vst v63  }
0x63: {  	_ =	swait.ge [sflag:s15], $0x4000  }
0x64: {  	[sflag:s15] =	ssyncset.done $0x0  }
0x65: {  	[sflag:s15] =	ssyncadd.s32 $0xFFFFC000  }
0x66: {  	_ =	swait.ge [sflag:s15], $0x4000  }
0x67: {  	[sflag:s15] =	ssyncset.done $0x0  }
0x68: {  	[sflag:s15] =	ssyncadd.s32 $0xFFFFC000  }
0x69: {  	_ =	swait.ge [sflag:s15], $0x4000  }
0x6a: {  	[sflag:s15] =	ssyncset.done $0x0  }
0x6b: {  	[sflag:s15] =	ssyncadd.s32 $0xFFFFC000  }
0x6c: {  	_ =	swait.ge [sflag:s15], $0x4000  }
.Ltmp1:
0x6d: {  	[sflag:s15] =	ssyncset.done $0x0;
	(pc) =	sbr.rel @p0 .LBB2_1-.Ltmp1, $4  }
0x6e: {  	[sflag:s15] =	ssyncadd.s32 $0xFFFFC000  }
0x6f: {  	[hbm4b:s20+s2] =	stream.linear.scatter [tilespmem:s9], [sflag:$0x2], $0x10000, $0x38;
	[tilespmem:$0x10400] =	vst v63  }
0x70: {  	_ =	swait.ge [sflag:s3], $0x10000  }
0x71: {  	[sflag:s3] =	ssyncset.done $0x0  }
.LBB2_2:
0x72: {  	[sflag:s3] =	ssyncadd.s32 $0xFFFF0000  }
0x73: {  	_ =	sfence.sel $0x180000  }
0x74: {  	[bflag:$0x0] =	sbarrier.arrive $0xFFFF  }
0x75: {  	p0 =	sne.s32 s0, $0x0;
	_ =	strace $0x90000047  }
0x76: {  	s0 =	sadd.s32 @!p0 $0x100000, s1;
	[bflag:$0x2] =	sbarrier.arrive $0xFFFF  }
0x77: {  	[sflag:s0] =	ssyncadd.tile.s32 @!p0 $0x1;
	_ =	shalt  }
.Lfunc_end2:
_tile_overlayer_lowered:
.L_overlay_start_2:
0x78: {  	(tag) =	ssettag $0x2  }
0x79: {  	s0 =	rddreg [dreg:$0x0];
	s2 =	stileid.u32  }
0x7a: {  	s1 =	rddreg [dreg:$0x1];
	p0 =	sne.s32 s2, $0x0  }
0x7b: {  	s3 =	rddreg [dreg:$0x2];
	[bflag:$0x3] =	sbarrier.arrive $0xFFFF;
	s2 =	simm.s32 @!p0 $0x1C02  }
0x7c: {  	[timem:s3], [sflag:s2] =	dma.local @!p0 [hbm:s0], s1  }
0x7d: {  	s0 =	simm.s32 @!p0 $0x2  }
0x7e: {  	_ =	swait.ge @!p0 [sflag:s0], s1  }
0x7f: {  	s1 =	ssub.s32 @!p0 $0x0, s1;
	[sflag:s0] =	ssyncset.done @!p0 $0x0  }
0x80: {  	[sflag:s0] =	ssyncadd.s32 @!p0 s1  }
0x81: {  	[bflag:$0x3] =	sbarrier.arrive $0xFFFF  }
0x82: {  	_ =	shalt  }

</sc_bundles>
